<compile_context>
chip_gen: v7x
topology: tpu7x:2x2x1
jax: 0.10.2.dev20260603
libtpu: 0.0.44.dev20260713+nightly
codegen_flags: <defaults>
</compile_context>

<pallas_src>
import functools

import jax
import jax.numpy as jnp
from jax import lax
from jax.experimental import pallas as pl
from jax.experimental.pallas import tpu as pltpu
from jax.experimental.pallas import tpu_sc as plsc

B, S, D = 1024, 200, 128
T = S + 1
IN_W = S * D
OUT_W = T * D
NC, NS = 2, 16
NW = NC * NS
NB = B // NW
NBUF = 4
LANES = 16


def _sc_body(in_hbm, cls_hbm, pos_hbm, out_hbm,
             pos_v, cls_v, buf0, buf1, buf2, buf3,
             gs0, gs1, gs2, gs3, ss0, ss1, ss2, ss3):
    bufs = (buf0, buf1, buf2, buf3)
    gsems = (gs0, gs1, gs2, gs3)
    ssems = (ss0, ss1, ss2, ss3)

    wid = lax.axis_index("s") * NC + lax.axis_index("c")
    base = wid * NB

    pltpu.sync_copy(pos_hbm, pos_v)
    pltpu.sync_copy(cls_hbm, cls_v)
    for i in range(D // LANES):
        sl = pl.ds(i * LANES, LANES)
        pos_v[sl] = pos_v[sl] + cls_v[sl]
    for j in range(NBUF):
        for i in range(D // LANES):
            sl = pl.ds(i * LANES, LANES)
            bufs[j][sl] = pos_v[sl]

    def start_gather(b, j):
        pltpu.async_copy(in_hbm.at[pl.ds(b * IN_W, IN_W)],
                         bufs[j].at[pl.ds(D, IN_W)], gsems[j])

    def wait_gather(j):
        pltpu.make_async_copy(in_hbm.at[pl.ds(0, IN_W)],
                              bufs[j].at[pl.ds(D, IN_W)], gsems[j]).wait()

    def start_scatter(b, j):
        pltpu.async_copy(bufs[j], out_hbm.at[pl.ds(b * OUT_W, OUT_W)],
                         ssems[j])

    def wait_scatter(j):
        pltpu.make_async_copy(bufs[j], out_hbm.at[pl.ds(0, OUT_W)],
                              ssems[j]).wait()

    start_gather(base, 0)
    start_gather(base + 1, 1)

    @pl.loop(0, NB, step=NBUF)
    def _(g):
        for j in range(NBUF):
            b = g + j
            wait_gather(j)

            @plsc.parallel_loop(D, OUT_W, LANES, unroll=8)
            def _(off):
                plsc.addupdate(bufs[j].at[pl.ds(off, LANES)],
                               pos_v[pl.ds(off, LANES)])

            start_scatter(base + b, j)

            nxt = (j + 2) % NBUF

            @pl.when(b + 2 < NB)
            def _():
                @pl.when(b >= 2)
                def _():
                    wait_scatter(nxt)
                start_gather(base + b + 2, nxt)

    for j in range(NBUF):
        wait_scatter(j)


@jax.jit
def _run(inp, cls, pos):
    mesh = plsc.VectorSubcoreMesh(core_axis_name="c", subcore_axis_name="s")
    return pl.kernel(
        _sc_body,
        out_type=jax.ShapeDtypeStruct((B * T * D,), jnp.float32),
        mesh=mesh,
        scratch_types=[
            pltpu.VMEM((OUT_W,), jnp.float32),
            pltpu.VMEM((D,), jnp.float32),
            pltpu.VMEM((OUT_W,), jnp.float32),
            pltpu.VMEM((OUT_W,), jnp.float32),
            pltpu.VMEM((OUT_W,), jnp.float32),
            pltpu.VMEM((OUT_W,), jnp.float32),
            pltpu.SemaphoreType.DMA,
            pltpu.SemaphoreType.DMA,
            pltpu.SemaphoreType.DMA,
            pltpu.SemaphoreType.DMA,
            pltpu.SemaphoreType.DMA,
            pltpu.SemaphoreType.DMA,
            pltpu.SemaphoreType.DMA,
            pltpu.SemaphoreType.DMA,
        ],
    )(inp, cls, pos)


def kernel(input, clstoken, position_table):
    out = _run(input.reshape(-1), clstoken.reshape(-1),
               position_table.reshape(-1))
    return out.reshape(B, T, D)

# --- scband reference (transcript-rebuilt; emitter-appended) ---
"""Pipeline reference for scband-embedding-46961172415144 (READ-ONLY COPY).

The authoritative reference and input builder live on the scoring server;
editing this copy changes nothing except your own understanding.
"""

import jax, jax.numpy as jnp
import numpy as np

BATCH = 1024
SEQ = 200
DIM = 128
NUM_POS = 201  # 200 + 1

def setup_inputs(seed: int = 0) -> dict:
    key = jax.random.key(seed)
    k1, k2, k3 = jax.random.split(key, 3)
    inp = jax.random.normal(k1, (BATCH, SEQ, DIM), dtype=jnp.float32)
    clstoken = jax.random.normal(k2, (1, 1, DIM), dtype=jnp.float32)
    position_table = jax.random.normal(k3, (NUM_POS, DIM), dtype=jnp.float32)
    return {"input": inp, "clstoken": clstoken, "position_table": position_table}

def reference(input, clstoken, position_table):
    batch_size = input.shape[0]
    # expand cls token across batch and prepend
    cls = jnp.broadcast_to(clstoken, (batch_size, 1, input.shape[2]))
    embeddings_ = jnp.concatenate((cls, input), axis=1)  # [B, S+1, D]
    seq_len = embeddings_.shape[1]
    # position ids: [B, S+1]
    in_ = jnp.arange(seq_len, dtype=jnp.int64)[None, :]
    in__ = jnp.broadcast_to(in_, (batch_size, seq_len))
    # embedding lookup (gather) from the positional table
    embs_ = jnp.take(position_table, in__, axis=0)  # [B, S+1, D]
    added_positional_emb = embeddings_ + embs_
    return added_positional_emb

if __name__ == "__main__":
    import jax
    _d = setup_inputs()
    print(jax.jit(kernel)(*tuple(_d.values())))

</pallas_src>

<mosaic_0001>
#map = affine_map<(d0, d1) -> (0)>
module attributes {stable_mosaic.version = 14 : i64} {
  func.func @_sc_body(%arg0: i32, %arg1: i32, %arg2: memref<26214400xf32, #tpu.memory_space<hbm>>, %arg3: memref<128xf32, #tpu.memory_space<hbm>>, %arg4: memref<25728xf32, #tpu.memory_space<hbm>>, %arg5: memref<26345472xf32, #tpu.memory_space<hbm>>, %arg6: memref<25728xf32, #tpu.memory_space<vmem>>, %arg7: memref<128xf32, #tpu.memory_space<vmem>>, %arg8: memref<25728xf32, #tpu.memory_space<vmem>>, %arg9: memref<25728xf32, #tpu.memory_space<vmem>>, %arg10: memref<25728xf32, #tpu.memory_space<vmem>>, %arg11: memref<25728xf32, #tpu.memory_space<vmem>>, %arg12: memref<!tpu.dma_semaphore, #tpu.memory_space<semaphore_mem>>, %arg13: memref<!tpu.dma_semaphore, #tpu.memory_space<semaphore_mem>>, %arg14: memref<!tpu.dma_semaphore, #tpu.memory_space<semaphore_mem>>, %arg15: memref<!tpu.dma_semaphore, #tpu.memory_space<semaphore_mem>>, %arg16: memref<!tpu.dma_semaphore, #tpu.memory_space<semaphore_mem>>, %arg17: memref<!tpu.dma_semaphore, #tpu.memory_space<semaphore_mem>>, %arg18: memref<!tpu.dma_semaphore, #tpu.memory_space<semaphore_mem>>, %arg19: memref<!tpu.dma_semaphore, #tpu.memory_space<semaphore_mem>>) attributes {dimension_semantics = [#tpu.dimension_semantics<core_parallel>, #tpu.dimension_semantics<subcore_parallel>], iteration_bounds = array<i64: 2, 16>, scalar_prefetch = 0 : i64, scratch_operands = 14 : i64, tpu.core_type = #tpu.core_type<sc_vector_subcore>, window_params = [{transform_indices = #map}, {transform_indices = #map}, {transform_indices = #map}, {transform_indices = #map}]} {
    %mul3A = arith.constant 2 : i32
    %mul3A_0 = arith.muli %arg1, %mul3A : i32
    %add3A = arith.addi %mul3A_0, %arg0 : i32
    %mul3A_1 = arith.constant 32 : i32
    %mul3A_2 = arith.muli %add3A, %mul3A_1 : i32
    "tpu.region"() ({
      %run_scoped3A = tpu.sem_alloc : memref<!tpu.dma_semaphore, #tpu.memory_space<semaphore_mem>>
      tpu.enqueue_dma source(%arg4 : memref<25728xf32, #tpu.memory_space<hbm>>) target(%arg6 : memref<25728xf32, #tpu.memory_space<vmem>>) target_semaphore(%run_scoped3A : memref<!tpu.dma_semaphore, #tpu.memory_space<semaphore_mem>>)
      tpu.wait_dma2 semaphore(%run_scoped3A : memref<!tpu.dma_semaphore, #tpu.memory_space<semaphore_mem>>) src(%arg4 : memref<25728xf32, #tpu.memory_space<hbm>>) dst(%arg6 : memref<25728xf32, #tpu.memory_space<vmem>>)
      tpu.yield
    }) : () -> ()
    "tpu.region"() ({
      %run_scoped3A = tpu.sem_alloc : memref<!tpu.dma_semaphore, #tpu.memory_space<semaphore_mem>>
      tpu.enqueue_dma source(%arg3 : memref<128xf32, #tpu.memory_space<hbm>>) target(%arg7 : memref<128xf32, #tpu.memory_space<vmem>>) target_semaphore(%run_scoped3A : memref<!tpu.dma_semaphore, #tpu.memory_space<semaphore_mem>>)
      tpu.wait_dma2 semaphore(%run_scoped3A : memref<!tpu.dma_semaphore, #tpu.memory_space<semaphore_mem>>) src(%arg3 : memref<128xf32, #tpu.memory_space<hbm>>) dst(%arg7 : memref<128xf32, #tpu.memory_space<vmem>>)
      tpu.yield
    }) : () -> ()
    %get3A = arith.constant 0 : index
    %get3A_3 = tpu.vector_load %arg6[%get3A] {strides = array<i32>} : memref<25728xf32, #tpu.memory_space<vmem>>, vector<16xf32>,
    %get3A_4 = vector.shape_cast %get3A_3 : vector<16xf32> to vector<16xf32>
    %get3A_5 = arith.constant 0 : index
    %get3A_6 = tpu.vector_load %arg7[%get3A_5] {strides = array<i32>} : memref<128xf32, #tpu.memory_space<vmem>>, vector<16xf32>,
    %get3A_7 = vector.shape_cast %get3A_6 : vector<16xf32> to vector<16xf32>
    %add3A_8 = arith.addf %get3A_4, %get3A_7 : vector<16xf32>
    %swap3A = arith.constant 0 : index
    %swap3A_9 = tpu.vector_load %arg6[%swap3A] {strides = array<i32>} : memref<25728xf32, #tpu.memory_space<vmem>>, vector<16xf32>,
    %swap3A_10 = vector.shape_cast %swap3A_9 : vector<16xf32> to vector<16xf32>
    %swap3A_11 = vector.shape_cast %add3A_8 : vector<16xf32> to vector<16xf32>
    tpu.vector_store %arg6[%swap3A], %swap3A_11 {strides = array<i32>} : memref<25728xf32, #tpu.memory_space<vmem>>, vector<16xf32>,
    %get3A_12 = arith.constant 16 : index
    %get3A_13 = tpu.vector_load %arg6[%get3A_12] {strides = array<i32>} : memref<25728xf32, #tpu.memory_space<vmem>>, vector<16xf32>,
    %get3A_14 = vector.shape_cast %get3A_13 : vector<16xf32> to vector<16xf32>
    %get3A_15 = arith.constant 16 : index
    %get3A_16 = tpu.vector_load %arg7[%get3A_15] {strides = array<i32>} : memref<128xf32, #tpu.memory_space<vmem>>, vector<16xf32>,
    %get3A_17 = vector.shape_cast %get3A_16 : vector<16xf32> to vector<16xf32>
    %add3A_18 = arith.addf %get3A_14, %get3A_17 : vector<16xf32>
    %swap3A_19 = arith.constant 16 : index
    %swap3A_20 = tpu.vector_load %arg6[%swap3A_19] {strides = array<i32>} : memref<25728xf32, #tpu.memory_space<vmem>>, vector<16xf32>,
    %swap3A_21 = vector.shape_cast %swap3A_20 : vector<16xf32> to vector<16xf32>
    %swap3A_22 = vector.shape_cast %add3A_18 : vector<16xf32> to vector<16xf32>
    tpu.vector_store %arg6[%swap3A_19], %swap3A_22 {strides = array<i32>} : memref<25728xf32, #tpu.memory_space<vmem>>, vector<16xf32>,
    %get3A_23 = arith.constant 32 : index
    %get3A_24 = tpu.vector_load %arg6[%get3A_23] {strides = array<i32>} : memref<25728xf32, #tpu.memory_space<vmem>>, vector<16xf32>,
    %get3A_25 = vector.shape_cast %get3A_24 : vector<16xf32> to vector<16xf32>
    %get3A_26 = arith.constant 32 : index
    %get3A_27 = tpu.vector_load %arg7[%get3A_26] {strides = array<i32>} : memref<128xf32, #tpu.memory_space<vmem>>, vector<16xf32>,
    %get3A_28 = vector.shape_cast %get3A_27 : vector<16xf32> to vector<16xf32>
    %add3A_29 = arith.addf %get3A_25, %get3A_28 : vector<16xf32>
    %swap3A_30 = arith.constant 32 : index
    %swap3A_31 = tpu.vector_load %arg6[%swap3A_30] {strides = array<i32>} : memref<25728xf32, #tpu.memory_space<vmem>>, vector<16xf32>,
    %swap3A_32 = vector.shape_cast %swap3A_31 : vector<16xf32> to vector<16xf32>
    %swap3A_33 = vector.shape_cast %add3A_29 : vector<16xf32> to vector<16xf32>
    tpu.vector_store %arg6[%swap3A_30], %swap3A_33 {strides = array<i32>} : memref<25728xf32, #tpu.memory_space<vmem>>, vector<16xf32>,
    %get3A_34 = arith.constant 48 : index
    %get3A_35 = tpu.vector_load %arg6[%get3A_34] {strides = array<i32>} : memref<25728xf32, #tpu.memory_space<vmem>>, vector<16xf32>,
    %get3A_36 = vector.shape_cast %get3A_35 : vector<16xf32> to vector<16xf32>
    %get3A_37 = arith.constant 48 : index
    %get3A_38 = tpu.vector_load %arg7[%get3A_37] {strides = array<i32>} : memref<128xf32, #tpu.memory_space<vmem>>, vector<16xf32>,
    %get3A_39 = vector.shape_cast %get3A_38 : vector<16xf32> to vector<16xf32>
    %add3A_40 = arith.addf %get3A_36, %get3A_39 : vector<16xf32>
    %swap3A_41 = arith.constant 48 : index
    %swap3A_42 = tpu.vector_load %arg6[%swap3A_41] {strides = array<i32>} : memref<25728xf32, #tpu.memory_space<vmem>>, vector<16xf32>,
    %swap3A_43 = vector.shape_cast %swap3A_42 : vector<16xf32> to vector<16xf32>
    %swap3A_44 = vector.shape_cast %add3A_40 : vector<16xf32> to vector<16xf32>
    tpu.vector_store %arg6[%swap3A_41], %swap3A_44 {strides = array<i32>} : memref<25728xf32, #tpu.memory_space<vmem>>, vector<16xf32>,
    %get3A_45 = arith.constant 64 : index
    %get3A_46 = tpu.vector_load %arg6[%get3A_45] {strides = array<i32>} : memref<25728xf32, #tpu.memory_space<vmem>>, vector<16xf32>,
    %get3A_47 = vector.shape_cast %get3A_46 : vector<16xf32> to vector<16xf32>
    %get3A_48 = arith.constant 64 : index
    %get3A_49 = tpu.vector_load %arg7[%get3A_48] {strides = array<i32>} : memref<128xf32, #tpu.memory_space<vmem>>, vector<16xf32>,
    %get3A_50 = vector.shape_cast %get3A_49 : vector<16xf32> to vector<16xf32>
    %add3A_51 = arith.addf %get3A_47, %get3A_50 : vector<16xf32>
    %swap3A_52 = arith.constant 64 : index
    %swap3A_53 = tpu.vector_load %arg6[%swap3A_52] {strides = array<i32>} : memref<25728xf32, #tpu.memory_space<vmem>>, vector<16xf32>,
    %swap3A_54 = vector.shape_cast %swap3A_53 : vector<16xf32> to vector<16xf32>
    %swap3A_55 = vector.shape_cast %add3A_51 : vector<16xf32> to vector<16xf32>
    tpu.vector_store %arg6[%swap3A_52], %swap3A_55 {strides = array<i32>} : memref<25728xf32, #tpu.memory_space<vmem>>, vector<16xf32>,
    %get3A_56 = arith.constant 80 : index
    %get3A_57 = tpu.vector_load %arg6[%get3A_56] {strides = array<i32>} : memref<25728xf32, #tpu.memory_space<vmem>>, vector<16xf32>,
    %get3A_58 = vector.shape_cast %get3A_57 : vector<16xf32> to vector<16xf32>
    %get3A_59 = arith.constant 80 : index
    %get3A_60 = tpu.vector_load %arg7[%get3A_59] {strides = array<i32>} : memref<128xf32, #tpu.memory_space<vmem>>, vector<16xf32>,
    %get3A_61 = vector.shape_cast %get3A_60 : vector<16xf32> to vector<16xf32>
    %add3A_62 = arith.addf %get3A_58, %get3A_61 : vector<16xf32>
    %swap3A_63 = arith.constant 80 : index
    %swap3A_64 = tpu.vector_load %arg6[%swap3A_63] {strides = array<i32>} : memref<25728xf32, #tpu.memory_space<vmem>>, vector<16xf32>,
    %swap3A_65 = vector.shape_cast %swap3A_64 : vector<16xf32> to vector<16xf32>
    %swap3A_66 = vector.shape_cast %add3A_62 : vector<16xf32> to vector<16xf32>
    tpu.vector_store %arg6[%swap3A_63], %swap3A_66 {strides = array<i32>} : memref<25728xf32, #tpu.memory_space<vmem>>, vector<16xf32>,
    %get3A_67 = arith.constant 96 : index
    %get3A_68 = tpu.vector_load %arg6[%get3A_67] {strides = array<i32>} : memref<25728xf32, #tpu.memory_space<vmem>>, vector<16xf32>,
    %get3A_69 = vector.shape_cast %get3A_68 : vector<16xf32> to vector<16xf32>
    %get3A_70 = arith.constant 96 : index
    %get3A_71 = tpu.vector_load %arg7[%get3A_70] {strides = array<i32>} : memref<128xf32, #tpu.memory_space<vmem>>, vector<16xf32>,
    %get3A_72 = vector.shape_cast %get3A_71 : vector<16xf32> to vector<16xf32>
    %add3A_73 = arith.addf %get3A_69, %get3A_72 : vector<16xf32>
    %swap3A_74 = arith.constant 96 : index
    %swap3A_75 = tpu.vector_load %arg6[%swap3A_74] {strides = array<i32>} : memref<25728xf32, #tpu.memory_space<vmem>>, vector<16xf32>,
    %swap3A_76 = vector.shape_cast %swap3A_75 : vector<16xf32> to vector<16xf32>
    %swap3A_77 = vector.shape_cast %add3A_73 : vector<16xf32> to vector<16xf32>
    tpu.vector_store %arg6[%swap3A_74], %swap3A_77 {strides = array<i32>} : memref<25728xf32, #tpu.memory_space<vmem>>, vector<16xf32>,
    %get3A_78 = arith.constant 112 : index
    %get3A_79 = tpu.vector_load %arg6[%get3A_78] {strides = array<i32>} : memref<25728xf32, #tpu.memory_space<vmem>>, vector<16xf32>,
    %get3A_80 = vector.shape_cast %get3A_79 : vector<16xf32> to vector<16xf32>
    %get3A_81 = arith.constant 112 : index
    %get3A_82 = tpu.vector_load %arg7[%get3A_81] {strides = array<i32>} : memref<128xf32, #tpu.memory_space<vmem>>, vector<16xf32>,
    %get3A_83 = vector.shape_cast %get3A_82 : vector<16xf32> to vector<16xf32>
    %add3A_84 = arith.addf %get3A_80, %get3A_83 : vector<16xf32>
    %swap3A_85 = arith.constant 112 : index
    %swap3A_86 = tpu.vector_load %arg6[%swap3A_85] {strides = array<i32>} : memref<25728xf32, #tpu.memory_space<vmem>>, vector<16xf32>,
    %swap3A_87 = vector.shape_cast %swap3A_86 : vector<16xf32> to vector<16xf32>
    %swap3A_88 = vector.shape_cast %add3A_84 : vector<16xf32> to vector<16xf32>
    tpu.vector_store %arg6[%swap3A_85], %swap3A_88 {strides = array<i32>} : memref<25728xf32, #tpu.memory_space<vmem>>, vector<16xf32>,
    %get3A_89 = arith.constant 0 : index
    %get3A_90 = tpu.vector_load %arg6[%get3A_89] {strides = array<i32>} : memref<25728xf32, #tpu.memory_space<vmem>>, vector<16xf32>,
    %get3A_91 = vector.shape_cast %get3A_90 : vector<16xf32> to vector<16xf32>
    %swap3A_92 = arith.constant 0 : index
    %swap3A_93 = tpu.vector_load %arg8[%swap3A_92] {strides = array<i32>} : memref<25728xf32, #tpu.memory_space<vmem>>, vector<16xf32>,
    %swap3A_94 = vector.shape_cast %swap3A_93 : vector<16xf32> to vector<16xf32>
    %swap3A_95 = vector.shape_cast %get3A_91 : vector<16xf32> to vector<16xf32>
    tpu.vector_store %arg8[%swap3A_92], %swap3A_95 {strides = array<i32>} : memref<25728xf32, #tpu.memory_space<vmem>>, vector<16xf32>,
    %get3A_96 = arith.constant 16 : index
    %get3A_97 = tpu.vector_load %arg6[%get3A_96] {strides = array<i32>} : memref<25728xf32, #tpu.memory_space<vmem>>, vector<16xf32>,
    %get3A_98 = vector.shape_cast %get3A_97 : vector<16xf32> to vector<16xf32>
    %swap3A_99 = arith.constant 16 : index
    %swap3A_100 = tpu.vector_load %arg8[%swap3A_99] {strides = array<i32>} : memref<25728xf32, #tpu.memory_space<vmem>>, vector<16xf32>,
    %swap3A_101 = vector.shape_cast %swap3A_100 : vector<16xf32> to vector<16xf32>
    %swap3A_102 = vector.shape_cast %get3A_98 : vector<16xf32> to vector<16xf32>
    tpu.vector_store %arg8[%swap3A_99], %swap3A_102 {strides = array<i32>} : memref<25728xf32, #tpu.memory_space<vmem>>, vector<16xf32>,
    %get3A_103 = arith.constant 32 : index
    %get3A_104 = tpu.vector_load %arg6[%get3A_103] {strides = array<i32>} : memref<25728xf32, #tpu.memory_space<vmem>>, vector<16xf32>,
    %get3A_105 = vector.shape_cast %get3A_104 : vector<16xf32> to vector<16xf32>
    %swap3A_106 = arith.constant 32 : index
    %swap3A_107 = tpu.vector_load %arg8[%swap3A_106] {strides = array<i32>} : memref<25728xf32, #tpu.memory_space<vmem>>, vector<16xf32>,
    %swap3A_108 = vector.shape_cast %swap3A_107 : vector<16xf32> to vector<16xf32>
    %swap3A_109 = vector.shape_cast %get3A_105 : vector<16xf32> to vector<16xf32>
    tpu.vector_store %arg8[%swap3A_106], %swap3A_109 {strides = array<i32>} : memref<25728xf32, #tpu.memory_space<vmem>>, vector<16xf32>,
    %get3A_110 = arith.constant 48 : index
    %get3A_111 = tpu.vector_load %arg6[%get3A_110] {strides = array<i32>} : memref<25728xf32, #tpu.memory_space<vmem>>, vector<16xf32>,
    %get3A_112 = vector.shape_cast %get3A_111 : vector<16xf32> to vector<16xf32>
    %swap3A_113 = arith.constant 48 : index
    %swap3A_114 = tpu.vector_load %arg8[%swap3A_113] {strides = array<i32>} : memref<25728xf32, #tpu.memory_space<vmem>>, vector<16xf32>,
    %swap3A_115 = vector.shape_cast %swap3A_114 : vector<16xf32> to vector<16xf32>
    %swap3A_116 = vector.shape_cast %get3A_112 : vector<16xf32> to vector<16xf32>
    tpu.vector_store %arg8[%swap3A_113], %swap3A_116 {strides = array<i32>} : memref<25728xf32, #tpu.memory_space<vmem>>, vector<16xf32>,
    %get3A_117 = arith.constant 64 : index
    %get3A_118 = tpu.vector_load %arg6[%get3A_117] {strides = array<i32>} : memref<25728xf32, #tpu.memory_space<vmem>>, vector<16xf32>,
    %get3A_119 = vector.shape_cast %get3A_118 : vector<16xf32> to vector<16xf32>
    %swap3A_120 = arith.constant 64 : index
    %swap3A_121 = tpu.vector_load %arg8[%swap3A_120] {strides = array<i32>} : memref<25728xf32, #tpu.memory_space<vmem>>, vector<16xf32>,
    %swap3A_122 = vector.shape_cast %swap3A_121 : vector<16xf32> to vector<16xf32>
    %swap3A_123 = vector.shape_cast %get3A_119 : vector<16xf32> to vector<16xf32>
    tpu.vector_store %arg8[%swap3A_120], %swap3A_123 {strides = array<i32>} : memref<25728xf32, #tpu.memory_space<vmem>>, vector<16xf32>,
    %get3A_124 = arith.constant 80 : index
    %get3A_125 = tpu.vector_load %arg6[%get3A_124] {strides = array<i32>} : memref<25728xf32, #tpu.memory_space<vmem>>, vector<16xf32>,
    %get3A_126 = vector.shape_cast %get3A_125 : vector<16xf32> to vector<16xf32>
    %swap3A_127 = arith.constant 80 : index
    %swap3A_128 = tpu.vector_load %arg8[%swap3A_127] {strides = array<i32>} : memref<25728xf32, #tpu.memory_space<vmem>>, vector<16xf32>,
    %swap3A_129 = vector.shape_cast %swap3A_128 : vector<16xf32> to vector<16xf32>
    %swap3A_130 = vector.shape_cast %get3A_126 : vector<16xf32> to vector<16xf32>
    tpu.vector_store %arg8[%swap3A_127], %swap3A_130 {strides = array<i32>} : memref<25728xf32, #tpu.memory_space<vmem>>, vector<16xf32>,
    %get3A_131 = arith.constant 96 : index
    %get3A_132 = tpu.vector_load %arg6[%get3A_131] {strides = array<i32>} : memref<25728xf32, #tpu.memory_space<vmem>>, vector<16xf32>,
    %get3A_133 = vector.shape_cast %get3A_132 : vector<16xf32> to vector<16xf32>
    %swap3A_134 = arith.constant 96 : index
    %swap3A_135 = tpu.vector_load %arg8[%swap3A_134] {strides = array<i32>} : memref<25728xf32, #tpu.memory_space<vmem>>, vector<16xf32>,
    %swap3A_136 = vector.shape_cast %swap3A_135 : vector<16xf32> to vector<16xf32>
    %swap3A_137 = vector.shape_cast %get3A_133 : vector<16xf32> to vector<16xf32>
    tpu.vector_store %arg8[%swap3A_134], %swap3A_137 {strides = array<i32>} : memref<25728xf32, #tpu.memory_space<vmem>>, vector<16xf32>,
    %get3A_138 = arith.constant 112 : index
    %get3A_139 = tpu.vector_load %arg6[%get3A_138] {strides = array<i32>} : memref<25728xf32, #tpu.memory_space<vmem>>, vector<16xf32>,
    %get3A_140 = vector.shape_cast %get3A_139 : vector<16xf32> to vector<16xf32>
    %swap3A_141 = arith.constant 112 : index
    %swap3A_142 = tpu.vector_load %arg8[%swap3A_141] {strides = array<i32>} : memref<25728xf32, #tpu.memory_space<vmem>>, vector<16xf32>,
    %swap3A_143 = vector.shape_cast %swap3A_142 : vector<16xf32> to vector<16xf32>
    %swap3A_144 = vector.shape_cast %get3A_140 : vector<16xf32> to vector<16xf32>
    tpu.vector_store %arg8[%swap3A_141], %swap3A_144 {strides = array<i32>} : memref<25728xf32, #tpu.memory_space<vmem>>, vector<16xf32>,
    %get3A_145 = arith.constant 0 : index
    %get3A_146 = tpu.vector_load %arg6[%get3A_145] {strides = array<i32>} : memref<25728xf32, #tpu.memory_space<vmem>>, vector<16xf32>,
    %get3A_147 = vector.shape_cast %get3A_146 : vector<16xf32> to vector<16xf32>
    %swap3A_148 = arith.constant 0 : index
    %swap3A_149 = tpu.vector_load %arg9[%swap3A_148] {strides = array<i32>} : memref<25728xf32, #tpu.memory_space<vmem>>, vector<16xf32>,
    %swap3A_150 = vector.shape_cast %swap3A_149 : vector<16xf32> to vector<16xf32>
    %swap3A_151 = vector.shape_cast %get3A_147 : vector<16xf32> to vector<16xf32>
    tpu.vector_store %arg9[%swap3A_148], %swap3A_151 {strides = array<i32>} : memref<25728xf32, #tpu.memory_space<vmem>>, vector<16xf32>,
    %get3A_152 = arith.constant 16 : index
    %get3A_153 = tpu.vector_load %arg6[%get3A_152] {strides = array<i32>} : memref<25728xf32, #tpu.memory_space<vmem>>, vector<16xf32>,
    %get3A_154 = vector.shape_cast %get3A_153 : vector<16xf32> to vector<16xf32>
    %swap3A_155 = arith.constant 16 : index
    %swap3A_156 = tpu.vector_load %arg9[%swap3A_155] {strides = array<i32>} : memref<25728xf32, #tpu.memory_space<vmem>>, vector<16xf32>,
    %swap3A_157 = vector.shape_cast %swap3A_156 : vector<16xf32> to vector<16xf32>
    %swap3A_158 = vector.shape_cast %get3A_154 : vector<16xf32> to vector<16xf32>
    tpu.vector_store %arg9[%swap3A_155], %swap3A_158 {strides = array<i32>} : memref<25728xf32, #tpu.memory_space<vmem>>, vector<16xf32>,
    %get3A_159 = arith.constant 32 : index
    %get3A_160 = tpu.vector_load %arg6[%get3A_159] {strides = array<i32>} : memref<25728xf32, #tpu.memory_space<vmem>>, vector<16xf32>,
    %get3A_161 = vector.shape_cast %get3A_160 : vector<16xf32> to vector<16xf32>
    %swap3A_162 = arith.constant 32 : index
    %swap3A_163 = tpu.vector_load %arg9[%swap3A_162] {strides = array<i32>} : memref<25728xf32, #tpu.memory_space<vmem>>, vector<16xf32>,
    %swap3A_164 = vector.shape_cast %swap3A_163 : vector<16xf32> to vector<16xf32>
    %swap3A_165 = vector.shape_cast %get3A_161 : vector<16xf32> to vector<16xf32>
    tpu.vector_store %arg9[%swap3A_162], %swap3A_165 {strides = array<i32>} : memref<25728xf32, #tpu.memory_space<vmem>>, vector<16xf32>,
    %get3A_166 = arith.constant 48 : index
    %get3A_167 = tpu.vector_load %arg6[%get3A_166] {strides = array<i32>} : memref<25728xf32, #tpu.memory_space<vmem>>, vector<16xf32>,
    %get3A_168 = vector.shape_cast %get3A_167 : vector<16xf32> to vector<16xf32>
    %swap3A_169 = arith.constant 48 : index
    %swap3A_170 = tpu.vector_load %arg9[%swap3A_169] {strides = array<i32>} : memref<25728xf32, #tpu.memory_space<vmem>>, vector<16xf32>,
    %swap3A_171 = vector.shape_cast %swap3A_170 : vector<16xf32> to vector<16xf32>
    %swap3A_172 = vector.shape_cast %get3A_168 : vector<16xf32> to vector<16xf32>
    tpu.vector_store %arg9[%swap3A_169], %swap3A_172 {strides = array<i32>} : memref<25728xf32, #tpu.memory_space<vmem>>, vector<16xf32>,
    %get3A_173 = arith.constant 64 : index
    %get3A_174 = tpu.vector_load %arg6[%get3A_173] {strides = array<i32>} : memref<25728xf32, #tpu.memory_space<vmem>>, vector<16xf32>,
    %get3A_175 = vector.shape_cast %get3A_174 : vector<16xf32> to vector<16xf32>
    %swap3A_176 = arith.constant 64 : index
    %swap3A_177 = tpu.vector_load %arg9[%swap3A_176] {strides = array<i32>} : memref<25728xf32, #tpu.memory_space<vmem>>, vector<16xf32>,
    %swap3A_178 = vector.shape_cast %swap3A_177 : vector<16xf32> to vector<16xf32>
    %swap3A_179 = vector.shape_cast %get3A_175 : vector<16xf32> to vector<16xf32>
    tpu.vector_store %arg9[%swap3A_176], %swap3A_179 {strides = array<i32>} : memref<25728xf32, #tpu.memory_space<vmem>>, vector<16xf32>,
    %get3A_180 = arith.constant 80 : index
    %get3A_181 = tpu.vector_load %arg6[%get3A_180] {strides = array<i32>} : memref<25728xf32, #tpu.memory_space<vmem>>, vector<16xf32>,
    %get3A_182 = vector.shape_cast %get3A_181 : vector<16xf32> to vector<16xf32>
    %swap3A_183 = arith.constant 80 : index
    %swap3A_184 = tpu.vector_load %arg9[%swap3A_183] {strides = array<i32>} : memref<25728xf32, #tpu.memory_space<vmem>>, vector<16xf32>,
    %swap3A_185 = vector.shape_cast %swap3A_184 : vector<16xf32> to vector<16xf32>
    %swap3A_186 = vector.shape_cast %get3A_182 : vector<16xf32> to vector<16xf32>
    tpu.vector_store %arg9[%swap3A_183], %swap3A_186 {strides = array<i32>} : memref<25728xf32, #tpu.memory_space<vmem>>, vector<16xf32>,
    %get3A_187 = arith.constant 96 : index
    %get3A_188 = tpu.vector_load %arg6[%get3A_187] {strides = array<i32>} : memref<25728xf32, #tpu.memory_space<vmem>>, vector<16xf32>,
    %get3A_189 = vector.shape_cast %get3A_188 : vector<16xf32> to vector<16xf32>
    %swap3A_190 = arith.constant 96 : index
    %swap3A_191 = tpu.vector_load %arg9[%swap3A_190] {strides = array<i32>} : memref<25728xf32, #tpu.memory_space<vmem>>, vector<16xf32>,
    %swap3A_192 = vector.shape_cast %swap3A_191 : vector<16xf32> to vector<16xf32>
    %swap3A_193 = vector.shape_cast %get3A_189 : vector<16xf32> to vector<16xf32>
    tpu.vector_store %arg9[%swap3A_190], %swap3A_193 {strides = array<i32>} : memref<25728xf32, #tpu.memory_space<vmem>>, vector<16xf32>,
    %get3A_194 = arith.constant 112 : index
    %get3A_195 = tpu.vector_load %arg6[%get3A_194] {strides = array<i32>} : memref<25728xf32, #tpu.memory_space<vmem>>, vector<16xf32>,
    %get3A_196 = vector.shape_cast %get3A_195 : vector<16xf32> to vector<16xf32>
    %swap3A_197 = arith.constant 112 : index
    %swap3A_198 = tpu.vector_load %arg9[%swap3A_197] {strides = array<i32>} : memref<25728xf32, #tpu.memory_space<vmem>>, vector<16xf32>,
    %swap3A_199 = vector.shape_cast %swap3A_198 : vector<16xf32> to vector<16xf32>
    %swap3A_200 = vector.shape_cast %get3A_196 : vector<16xf32> to vector<16xf32>
    tpu.vector_store %arg9[%swap3A_197], %swap3A_200 {strides = array<i32>} : memref<25728xf32, #tpu.memory_space<vmem>>, vector<16xf32>,
    %get3A_201 = arith.constant 0 : index
    %get3A_202 = tpu.vector_load %arg6[%get3A_201] {strides = array<i32>} : memref<25728xf32, #tpu.memory_space<vmem>>, vector<16xf32>,
    %get3A_203 = vector.shape_cast %get3A_202 : vector<16xf32> to vector<16xf32>
    %swap3A_204 = arith.constant 0 : index
    %swap3A_205 = tpu.vector_load %arg10[%swap3A_204] {strides = array<i32>} : memref<25728xf32, #tpu.memory_space<vmem>>, vector<16xf32>,
    %swap3A_206 = vector.shape_cast %swap3A_205 : vector<16xf32> to vector<16xf32>
    %swap3A_207 = vector.shape_cast %get3A_203 : vector<16xf32> to vector<16xf32>
    tpu.vector_store %arg10[%swap3A_204], %swap3A_207 {strides = array<i32>} : memref<25728xf32, #tpu.memory_space<vmem>>, vector<16xf32>,
    %get3A_208 = arith.constant 16 : index
    %get3A_209 = tpu.vector_load %arg6[%get3A_208] {strides = array<i32>} : memref<25728xf32, #tpu.memory_space<vmem>>, vector<16xf32>,
    %get3A_210 = vector.shape_cast %get3A_209 : vector<16xf32> to vector<16xf32>
    %swap3A_211 = arith.constant 16 : index
    %swap3A_212 = tpu.vector_load %arg10[%swap3A_211] {strides = array<i32>} : memref<25728xf32, #tpu.memory_space<vmem>>, vector<16xf32>,
    %swap3A_213 = vector.shape_cast %swap3A_212 : vector<16xf32> to vector<16xf32>
    %swap3A_214 = vector.shape_cast %get3A_210 : vector<16xf32> to vector<16xf32>
    tpu.vector_store %arg10[%swap3A_211], %swap3A_214 {strides = array<i32>} : memref<25728xf32, #tpu.memory_space<vmem>>, vector<16xf32>,
    %get3A_215 = arith.constant 32 : index
    %get3A_216 = tpu.vector_load %arg6[%get3A_215] {strides = array<i32>} : memref<25728xf32, #tpu.memory_space<vmem>>, vector<16xf32>,
    %get3A_217 = vector.shape_cast %get3A_216 : vector<16xf32> to vector<16xf32>
    %swap3A_218 = arith.constant 32 : index
    %swap3A_219 = tpu.vector_load %arg10[%swap3A_218] {strides = array<i32>} : memref<25728xf32, #tpu.memory_space<vmem>>, vector<16xf32>,
    %swap3A_220 = vector.shape_cast %swap3A_219 : vector<16xf32> to vector<16xf32>
    %swap3A_221 = vector.shape_cast %get3A_217 : vector<16xf32> to vector<16xf32>
    tpu.vector_store %arg10[%swap3A_218], %swap3A_221 {strides = array<i32>} : memref<25728xf32, #tpu.memory_space<vmem>>, vector<16xf32>,
    %get3A_222 = arith.constant 48 : index
    %get3A_223 = tpu.vector_load %arg6[%get3A_222] {strides = array<i32>} : memref<25728xf32, #tpu.memory_space<vmem>>, vector<16xf32>,
    %get3A_224 = vector.shape_cast %get3A_223 : vector<16xf32> to vector<16xf32>
    %swap3A_225 = arith.constant 48 : index
    %swap3A_226 = tpu.vector_load %arg10[%swap3A_225] {strides = array<i32>} : memref<25728xf32, #tpu.memory_space<vmem>>, vector<16xf32>,
    %swap3A_227 = vector.shape_cast %swap3A_226 : vector<16xf32> to vector<16xf32>
    %swap3A_228 = vector.shape_cast %get3A_224 : vector<16xf32> to vector<16xf32>
    tpu.vector_store %arg10[%swap3A_225], %swap3A_228 {strides = array<i32>} : memref<25728xf32, #tpu.memory_space<vmem>>, vector<16xf32>,
    %get3A_229 = arith.constant 64 : index
    %get3A_230 = tpu.vector_load %arg6[%get3A_229] {strides = array<i32>} : memref<25728xf32, #tpu.memory_space<vmem>>, vector<16xf32>,
    %get3A_231 = vector.shape_cast %get3A_230 : vector<16xf32> to vector<16xf32>
    %swap3A_232 = arith.constant 64 : index
    %swap3A_233 = tpu.vector_load %arg10[%swap3A_232] {strides = array<i32>} : memref<25728xf32, #tpu.memory_space<vmem>>, vector<16xf32>,
    %swap3A_234 = vector.shape_cast %swap3A_233 : vector<16xf32> to vector<16xf32>
    %swap3A_235 = vector.shape_cast %get3A_231 : vector<16xf32> to vector<16xf32>
    tpu.vector_store %arg10[%swap3A_232], %swap3A_235 {strides = array<i32>} : memref<25728xf32, #tpu.memory_space<vmem>>, vector<16xf32>,
    %get3A_236 = arith.constant 80 : index
    %get3A_237 = tpu.vector_load %arg6[%get3A_236] {strides = array<i32>} : memref<25728xf32, #tpu.memory_space<vmem>>, vector<16xf32>,
    %get3A_238 = vector.shape_cast %get3A_237 : vector<16xf32> to vector<16xf32>
    %swap3A_239 = arith.constant 80 : index
    %swap3A_240 = tpu.vector_load %arg10[%swap3A_239] {strides = array<i32>} : memref<25728xf32, #tpu.memory_space<vmem>>, vector<16xf32>,
    %swap3A_241 = vector.shape_cast %swap3A_240 : vector<16xf32> to vector<16xf32>
    %swap3A_242 = vector.shape_cast %get3A_238 : vector<16xf32> to vector<16xf32>
    tpu.vector_store %arg10[%swap3A_239], %swap3A_242 {strides = array<i32>} : memref<25728xf32, #tpu.memory_space<vmem>>, vector<16xf32>,
    %get3A_243 = arith.constant 96 : index
    %get3A_244 = tpu.vector_load %arg6[%get3A_243] {strides = array<i32>} : memref<25728xf32, #tpu.memory_space<vmem>>, vector<16xf32>,
    %get3A_245 = vector.shape_cast %get3A_244 : vector<16xf32> to vector<16xf32>
    %swap3A_246 = arith.constant 96 : index
    %swap3A_247 = tpu.vector_load %arg10[%swap3A_246] {strides = array<i32>} : memref<25728xf32, #tpu.memory_space<vmem>>, vector<16xf32>,
    %swap3A_248 = vector.shape_cast %swap3A_247 : vector<16xf32> to vector<16xf32>
    %swap3A_249 = vector.shape_cast %get3A_245 : vector<16xf32> to vector<16xf32>
    tpu.vector_store %arg10[%swap3A_246], %swap3A_249 {strides = array<i32>} : memref<25728xf32, #tpu.memory_space<vmem>>, vector<16xf32>,
    %get3A_250 = arith.constant 112 : index
    %get3A_251 = tpu.vector_load %arg6[%get3A_250] {strides = array<i32>} : memref<25728xf32, #tpu.memory_space<vmem>>, vector<16xf32>,
    %get3A_252 = vector.shape_cast %get3A_251 : vector<16xf32> to vector<16xf32>
    %swap3A_253 = arith.constant 112 : index
    %swap3A_254 = tpu.vector_load %arg10[%swap3A_253] {strides = array<i32>} : memref<25728xf32, #tpu.memory_space<vmem>>, vector<16xf32>,
    %swap3A_255 = vector.shape_cast %swap3A_254 : vector<16xf32> to vector<16xf32>
    %swap3A_256 = vector.shape_cast %get3A_252 : vector<16xf32> to vector<16xf32>
    tpu.vector_store %arg10[%swap3A_253], %swap3A_256 {strides = array<i32>} : memref<25728xf32, #tpu.memory_space<vmem>>, vector<16xf32>,
    %get3A_257 = arith.constant 0 : index
    %get3A_258 = tpu.vector_load %arg6[%get3A_257] {strides = array<i32>} : memref<25728xf32, #tpu.memory_space<vmem>>, vector<16xf32>,
    %get3A_259 = vector.shape_cast %get3A_258 : vector<16xf32> to vector<16xf32>
    %swap3A_260 = arith.constant 0 : index
    %swap3A_261 = tpu.vector_load %arg11[%swap3A_260] {strides = array<i32>} : memref<25728xf32, #tpu.memory_space<vmem>>, vector<16xf32>,
    %swap3A_262 = vector.shape_cast %swap3A_261 : vector<16xf32> to vector<16xf32>
    %swap3A_263 = vector.shape_cast %get3A_259 : vector<16xf32> to vector<16xf32>
    tpu.vector_store %arg11[%swap3A_260], %swap3A_263 {strides = array<i32>} : memref<25728xf32, #tpu.memory_space<vmem>>, vector<16xf32>,
    %get3A_264 = arith.constant 16 : index
    %get3A_265 = tpu.vector_load %arg6[%get3A_264] {strides = array<i32>} : memref<25728xf32, #tpu.memory_space<vmem>>, vector<16xf32>,
    %get3A_266 = vector.shape_cast %get3A_265 : vector<16xf32> to vector<16xf32>
    %swap3A_267 = arith.constant 16 : index
    %swap3A_268 = tpu.vector_load %arg11[%swap3A_267] {strides = array<i32>} : memref<25728xf32, #tpu.memory_space<vmem>>, vector<16xf32>,
    %swap3A_269 = vector.shape_cast %swap3A_268 : vector<16xf32> to vector<16xf32>
    %swap3A_270 = vector.shape_cast %get3A_266 : vector<16xf32> to vector<16xf32>
    tpu.vector_store %arg11[%swap3A_267], %swap3A_270 {strides = array<i32>} : memref<25728xf32, #tpu.memory_space<vmem>>, vector<16xf32>,
    %get3A_271 = arith.constant 32 : index
    %get3A_272 = tpu.vector_load %arg6[%get3A_271] {strides = array<i32>} : memref<25728xf32, #tpu.memory_space<vmem>>, vector<16xf32>,
    %get3A_273 = vector.shape_cast %get3A_272 : vector<16xf32> to vector<16xf32>
    %swap3A_274 = arith.constant 32 : index
    %swap3A_275 = tpu.vector_load %arg11[%swap3A_274] {strides = array<i32>} : memref<25728xf32, #tpu.memory_space<vmem>>, vector<16xf32>,
    %swap3A_276 = vector.shape_cast %swap3A_275 : vector<16xf32> to vector<16xf32>
    %swap3A_277 = vector.shape_cast %get3A_273 : vector<16xf32> to vector<16xf32>
    tpu.vector_store %arg11[%swap3A_274], %swap3A_277 {strides = array<i32>} : memref<25728xf32, #tpu.memory_space<vmem>>, vector<16xf32>,
    %get3A_278 = arith.constant 48 : index
    %get3A_279 = tpu.vector_load %arg6[%get3A_278] {strides = array<i32>} : memref<25728xf32, #tpu.memory_space<vmem>>, vector<16xf32>,
    %get3A_280 = vector.shape_cast %get3A_279 : vector<16xf32> to vector<16xf32>
    %swap3A_281 = arith.constant 48 : index
    %swap3A_282 = tpu.vector_load %arg11[%swap3A_281] {strides = array<i32>} : memref<25728xf32, #tpu.memory_space<vmem>>, vector<16xf32>,
    %swap3A_283 = vector.shape_cast %swap3A_282 : vector<16xf32> to vector<16xf32>
    %swap3A_284 = vector.shape_cast %get3A_280 : vector<16xf32> to vector<16xf32>
    tpu.vector_store %arg11[%swap3A_281], %swap3A_284 {strides = array<i32>} : memref<25728xf32, #tpu.memory_space<vmem>>, vector<16xf32>,
    %get3A_285 = arith.constant 64 : index
    %get3A_286 = tpu.vector_load %arg6[%get3A_285] {strides = array<i32>} : memref<25728xf32, #tpu.memory_space<vmem>>, vector<16xf32>,
    %get3A_287 = vector.shape_cast %get3A_286 : vector<16xf32> to vector<16xf32>
    %swap3A_288 = arith.constant 64 : index
    %swap3A_289 = tpu.vector_load %arg11[%swap3A_288] {strides = array<i32>} : memref<25728xf32, #tpu.memory_space<vmem>>, vector<16xf32>,
    %swap3A_290 = vector.shape_cast %swap3A_289 : vector<16xf32> to vector<16xf32>
    %swap3A_291 = vector.shape_cast %get3A_287 : vector<16xf32> to vector<16xf32>
    tpu.vector_store %arg11[%swap3A_288], %swap3A_291 {strides = array<i32>} : memref<25728xf32, #tpu.memory_space<vmem>>, vector<16xf32>,
    %get3A_292 = arith.constant 80 : index
    %get3A_293 = tpu.vector_load %arg6[%get3A_292] {strides = array<i32>} : memref<25728xf32, #tpu.memory_space<vmem>>, vector<16xf32>,
    %get3A_294 = vector.shape_cast %get3A_293 : vector<16xf32> to vector<16xf32>
    %swap3A_295 = arith.constant 80 : index
    %swap3A_296 = tpu.vector_load %arg11[%swap3A_295] {strides = array<i32>} : memref<25728xf32, #tpu.memory_space<vmem>>, vector<16xf32>,
    %swap3A_297 = vector.shape_cast %swap3A_296 : vector<16xf32> to vector<16xf32>
    %swap3A_298 = vector.shape_cast %get3A_294 : vector<16xf32> to vector<16xf32>
    tpu.vector_store %arg11[%swap3A_295], %swap3A_298 {strides = array<i32>} : memref<25728xf32, #tpu.memory_space<vmem>>, vector<16xf32>,
    %get3A_299 = arith.constant 96 : index
    %get3A_300 = tpu.vector_load %arg6[%get3A_299] {strides = array<i32>} : memref<25728xf32, #tpu.memory_space<vmem>>, vector<16xf32>,
    %get3A_301 = vector.shape_cast %get3A_300 : vector<16xf32> to vector<16xf32>
    %swap3A_302 = arith.constant 96 : index
    %swap3A_303 = tpu.vector_load %arg11[%swap3A_302] {strides = array<i32>} : memref<25728xf32, #tpu.memory_space<vmem>>, vector<16xf32>,
    %swap3A_304 = vector.shape_cast %swap3A_303 : vector<16xf32> to vector<16xf32>
    %swap3A_305 = vector.shape_cast %get3A_301 : vector<16xf32> to vector<16xf32>
    tpu.vector_store %arg11[%swap3A_302], %swap3A_305 {strides = array<i32>} : memref<25728xf32, #tpu.memory_space<vmem>>, vector<16xf32>,
    %get3A_306 = arith.constant 112 : index
    %get3A_307 = tpu.vector_load %arg6[%get3A_306] {strides = array<i32>} : memref<25728xf32, #tpu.memory_space<vmem>>, vector<16xf32>,
    %get3A_308 = vector.shape_cast %get3A_307 : vector<16xf32> to vector<16xf32>
    %swap3A_309 = arith.constant 112 : index
    %swap3A_310 = tpu.vector_load %arg11[%swap3A_309] {strides = array<i32>} : memref<25728xf32, #tpu.memory_space<vmem>>, vector<16xf32>,
    %swap3A_311 = vector.shape_cast %swap3A_310 : vector<16xf32> to vector<16xf32>
    %swap3A_312 = vector.shape_cast %get3A_308 : vector<16xf32> to vector<16xf32>
    tpu.vector_store %arg11[%swap3A_309], %swap3A_312 {strides = array<i32>} : memref<25728xf32, #tpu.memory_space<vmem>>, vector<16xf32>,
    %mul3A_313 = arith.constant 25600 : i32
    %mul3A_314 = arith.muli %mul3A_2, %mul3A_313 : i32
    %dma_start3A = arith.constant 128 : i32
    %dma_start3A_315 = tpu.memref_slice %arg8[%dma_start3A] : memref<25728xf32, #tpu.memory_space<vmem>> -> memref<25600xf32, #tpu.memory_space<vmem>>
    %dma_start3A_316 = tpu.memref_slice %arg2[%mul3A_314] : memref<26214400xf32, #tpu.memory_space<hbm>> -> memref<25600xf32, #tpu.memory_space<hbm>>
    %dma_start3A_317 = arith.constant 128 : i32
    %dma_start3A_318 = tpu.memref_slice %arg8[%dma_start3A_317] : memref<25728xf32, #tpu.memory_space<vmem>> -> memref<25600xf32, #tpu.memory_space<vmem>>
    %dma_start3A_319 = tpu.memref_slice %arg2[%mul3A_314] : memref<26214400xf32, #tpu.memory_space<hbm>> -> memref<25600xf32, #tpu.memory_space<hbm>>
    tpu.enqueue_dma source(%dma_start3A_319 : memref<25600xf32, #tpu.memory_space<hbm>>) target(%dma_start3A_318 : memref<25600xf32, #tpu.memory_space<vmem>>) target_semaphore(%arg12 : memref<!tpu.dma_semaphore, #tpu.memory_space<semaphore_mem>>)
    %add3A_320 = arith.constant 1 : i32
    %add3A_321 = arith.addi %mul3A_2, %add3A_320 : i32
    %mul3A_322 = arith.constant 25600 : i32
    %mul3A_323 = arith.muli %add3A_321, %mul3A_322 : i32
    %dma_start3A_324 = arith.constant 128 : i32
    %dma_start3A_325 = tpu.memref_slice %arg9[%dma_start3A_324] : memref<25728xf32, #tpu.memory_space<vmem>> -> memref<25600xf32, #tpu.memory_space<vmem>>
    %dma_start3A_326 = tpu.memref_slice %arg2[%mul3A_323] : memref<26214400xf32, #tpu.memory_space<hbm>> -> memref<25600xf32, #tpu.memory_space<hbm>>
    %dma_start3A_327 = arith.constant 128 : i32
    %dma_start3A_328 = tpu.memref_slice %arg9[%dma_start3A_327] : memref<25728xf32, #tpu.memory_space<vmem>> -> memref<25600xf32, #tpu.memory_space<vmem>>
    %dma_start3A_329 = tpu.memref_slice %arg2[%mul3A_323] : memref<26214400xf32, #tpu.memory_space<hbm>> -> memref<25600xf32, #tpu.memory_space<hbm>>
    tpu.enqueue_dma source(%dma_start3A_329 : memref<25600xf32, #tpu.memory_space<hbm>>) target(%dma_start3A_328 : memref<25600xf32, #tpu.memory_space<vmem>>) target_semaphore(%arg13 : memref<!tpu.dma_semaphore, #tpu.memory_space<semaphore_mem>>)
    %scan3A = arith.constant 0 : i32
    %scan3A_330 = arith.constant 8 : i32
    %scan3A_331 = arith.addi %scan3A, %scan3A_330 : i32
    %scan3A_332 = arith.constant 1 : i32
    scf.for %scan3A_349 = %scan3A to %scan3A_331 step %scan3A_332  : i32 {
      %mul3A_350 = arith.constant 4 : i32
      %mul3A_351 = arith.muli %scan3A_349, %mul3A_350 : i32
      %add3A_352 = arith.constant 0 : i32
      %add3A_353 = arith.addi %add3A_352, %mul3A_351 : i32
      %add3A_354 = arith.constant 0 : i32
      %add3A_355 = arith.addi %add3A_353, %add3A_354 : i32
      %dma_wait3A_356 = arith.constant 128 : i32
      %dma_wait3A_357 = tpu.memref_slice %arg8[%dma_wait3A_356] : memref<25728xf32, #tpu.memory_space<vmem>> -> memref<25600xf32, #tpu.memory_space<vmem>>
      %dma_wait3A_358 = arith.constant 0 : i32
      %dma_wait3A_359 = tpu.memref_slice %arg2[%dma_wait3A_358] : memref<26214400xf32, #tpu.memory_space<hbm>> -> memref<25600xf32, #tpu.memory_space<hbm>>
      %dma_wait3A_360 = arith.constant 128 : i32
      %dma_wait3A_361 = tpu.memref_slice %arg8[%dma_wait3A_360] : memref<25728xf32, #tpu.memory_space<vmem>> -> memref<25600xf32, #tpu.memory_space<vmem>>
      %dma_wait3A_362 = arith.constant 0 : i32
      %dma_wait3A_363 = tpu.memref_slice %arg2[%dma_wait3A_362] : memref<26214400xf32, #tpu.memory_space<hbm>> -> memref<25600xf32, #tpu.memory_space<hbm>>
      tpu.wait_dma2 semaphore(%arg12 : memref<!tpu.dma_semaphore, #tpu.memory_space<semaphore_mem>>) src(%dma_wait3A_363 : memref<25600xf32, #tpu.memory_space<hbm>>) dst(%dma_wait3A_361 : memref<25600xf32, #tpu.memory_space<vmem>>)
      %parallel_loop3A = arith.constant 128 : i32
      %parallel_loop3A_364 = arith.constant 25728 : i32
      %parallel_loop3A_365 = arith.constant 16 : i32
      scf.for %parallel_loop3A_450 = %parallel_loop3A to %parallel_loop3A_364 step %parallel_loop3A_365  : i32 {
        %parallel_loop3A_451 = arith.index_cast %parallel_loop3A_450 : i32 to index
        %parallel_loop3A_452 = tpu.vector_load %arg6[%parallel_loop3A_451] {strides = array<i32>} : memref<25728xf32, #tpu.memory_space<vmem>>, vector<16xf32>,
        %parallel_loop3A_453 = vector.shape_cast %parallel_loop3A_452 : vector<16xf32> to vector<16xf32>
        %parallel_loop3A_454 = arith.index_cast %parallel_loop3A_450 : i32 to index
        %parallel_loop3A_455 = tpu.vector_load %arg8[%parallel_loop3A_454] {strides = array<i32>} : memref<25728xf32, #tpu.memory_space<vmem>>, vector<16xf32>,
        %parallel_loop3A_456 = vector.shape_cast %parallel_loop3A_455 : vector<16xf32> to vector<16xf32>
        %parallel_loop3A_457 = vector.shape_cast %parallel_loop3A_453 : vector<16xf32> to vector<16xf32>
        tpu.vector_store %arg8[%parallel_loop3A_454], %parallel_loop3A_457 {add = true, strides = array<i32>} : memref<25728xf32, #tpu.memory_space<vmem>>, vector<16xf32>,
      } {sc.loop_unroll_factor = 8 : i64, sc.parallel_access}
      %add3A_366 = arith.addi %mul3A_2, %add3A_355 : i32
      %mul3A_367 = arith.constant 25728 : i32
      %mul3A_368 = arith.muli %add3A_366, %mul3A_367 : i32
      %dma_start3A_369 = tpu.memref_slice %arg5[%mul3A_368] : memref<26345472xf32, #tpu.memory_space<hbm>> -> memref<25728xf32, #tpu.memory_space<hbm>>
      %dma_start3A_370 = tpu.memref_slice %arg5[%mul3A_368] : memref<26345472xf32, #tpu.memory_space<hbm>> -> memref<25728xf32, #tpu.memory_space<hbm>>
      tpu.enqueue_dma source(%arg8 : memref<25728xf32, #tpu.memory_space<vmem>>) target(%dma_start3A_370 : memref<25728xf32, #tpu.memory_space<hbm>>) target_semaphore(%arg16 : memref<!tpu.dma_semaphore, #tpu.memory_space<semaphore_mem>>)
      %add3A_371 = arith.constant 2 : i32
      %add3A_372 = arith.addi %add3A_355, %add3A_371 : i32
      %lt3A = arith.constant 32 : i32
      %lt3A_373 = arith.cmpi slt, %add3A_372, %lt3A : i32
      %convert_element_type3A = arith.extui %lt3A_373 : i1 to i32
      %cond3A = arith.constant 0 : i32
      %cond3A_374 = arith.cmpi ne, %convert_element_type3A, %cond3A : i32
      scf.if %cond3A_374 {
        %ge3A = arith.constant 2 : i32
        %ge3A_450 = arith.cmpi sge, %add3A_355, %ge3A : i32
        %convert_element_type3A_451 = arith.extui %ge3A_450 : i1 to i32
        %cond3A_452 = arith.constant 0 : i32
        %cond3A_453 = arith.cmpi ne, %convert_element_type3A_451, %cond3A_452 : i32
        scf.if %cond3A_453 {
          %dma_wait3A_465 = arith.constant 0 : i32
          %dma_wait3A_466 = tpu.memref_slice %arg5[%dma_wait3A_465] : memref<26345472xf32, #tpu.memory_space<hbm>> -> memref<25728xf32, #tpu.memory_space<hbm>>
          %dma_wait3A_467 = arith.constant 0 : i32
          %dma_wait3A_468 = tpu.memref_slice %arg5[%dma_wait3A_467] : memref<26345472xf32, #tpu.memory_space<hbm>> -> memref<25728xf32, #tpu.memory_space<hbm>>
          tpu.wait_dma2 semaphore(%arg18 : memref<!tpu.dma_semaphore, #tpu.memory_space<semaphore_mem>>) src(%arg10 : memref<25728xf32, #tpu.memory_space<vmem>>) dst(%dma_wait3A_468 : memref<25728xf32, #tpu.memory_space<hbm>>)
        } else {
        }
        %add3A_454 = arith.addi %mul3A_2, %add3A_355 : i32
        %add3A_455 = arith.constant 2 : i32
        %add3A_456 = arith.addi %add3A_454, %add3A_455 : i32
        %mul3A_457 = arith.constant 25600 : i32
        %mul3A_458 = arith.muli %add3A_456, %mul3A_457 : i32
        %dma_start3A_459 = arith.constant 128 : i32
        %dma_start3A_460 = tpu.memref_slice %arg10[%dma_start3A_459] : memref<25728xf32, #tpu.memory_space<vmem>> -> memref<25600xf32, #tpu.memory_space<vmem>>
        %dma_start3A_461 = tpu.memref_slice %arg2[%mul3A_458] : memref<26214400xf32, #tpu.memory_space<hbm>> -> memref<25600xf32, #tpu.memory_space<hbm>>
        %dma_start3A_462 = arith.constant 128 : i32
        %dma_start3A_463 = tpu.memref_slice %arg10[%dma_start3A_462] : memref<25728xf32, #tpu.memory_space<vmem>> -> memref<25600xf32, #tpu.memory_space<vmem>>
        %dma_start3A_464 = tpu.memref_slice %arg2[%mul3A_458] : memref<26214400xf32, #tpu.memory_space<hbm>> -> memref<25600xf32, #tpu.memory_space<hbm>>
        tpu.enqueue_dma source(%dma_start3A_464 : memref<25600xf32, #tpu.memory_space<hbm>>) target(%dma_start3A_463 : memref<25600xf32, #tpu.memory_space<vmem>>) target_semaphore(%arg14 : memref<!tpu.dma_semaphore, #tpu.memory_space<semaphore_mem>>)
      } else {
      }
      %add3A_375 = arith.constant 1 : i32
      %add3A_376 = arith.addi %add3A_353, %add3A_375 : i32
      %dma_wait3A_377 = arith.constant 128 : i32
      %dma_wait3A_378 = tpu.memref_slice %arg9[%dma_wait3A_377] : memref<25728xf32, #tpu.memory_space<vmem>> -> memref<25600xf32, #tpu.memory_space<vmem>>
      %dma_wait3A_379 = arith.constant 0 : i32
      %dma_wait3A_380 = tpu.memref_slice %arg2[%dma_wait3A_379] : memref<26214400xf32, #tpu.memory_space<hbm>> -> memref<25600xf32, #tpu.memory_space<hbm>>
      %dma_wait3A_381 = arith.constant 128 : i32
      %dma_wait3A_382 = tpu.memref_slice %arg9[%dma_wait3A_381] : memref<25728xf32, #tpu.memory_space<vmem>> -> memref<25600xf32, #tpu.memory_space<vmem>>
      %dma_wait3A_383 = arith.constant 0 : i32
      %dma_wait3A_384 = tpu.memref_slice %arg2[%dma_wait3A_383] : memref<26214400xf32, #tpu.memory_space<hbm>> -> memref<25600xf32, #tpu.memory_space<hbm>>
      tpu.wait_dma2 semaphore(%arg13 : memref<!tpu.dma_semaphore, #tpu.memory_space<semaphore_mem>>) src(%dma_wait3A_384 : memref<25600xf32, #tpu.memory_space<hbm>>) dst(%dma_wait3A_382 : memref<25600xf32, #tpu.memory_space<vmem>>)
      %parallel_loop3A_385 = arith.constant 128 : i32
      %parallel_loop3A_386 = arith.constant 25728 : i32
      %parallel_loop3A_387 = arith.constant 16 : i32
      scf.for %parallel_loop3A_450 = %parallel_loop3A_385 to %parallel_loop3A_386 step %parallel_loop3A_387  : i32 {
        %parallel_loop3A_451 = arith.index_cast %parallel_loop3A_450 : i32 to index
        %parallel_loop3A_452 = tpu.vector_load %arg6[%parallel_loop3A_451] {strides = array<i32>} : memref<25728xf32, #tpu.memory_space<vmem>>, vector<16xf32>,
        %parallel_loop3A_453 = vector.shape_cast %parallel_loop3A_452 : vector<16xf32> to vector<16xf32>
        %parallel_loop3A_454 = arith.index_cast %parallel_loop3A_450 : i32 to index
        %parallel_loop3A_455 = tpu.vector_load %arg9[%parallel_loop3A_454] {strides = array<i32>} : memref<25728xf32, #tpu.memory_space<vmem>>, vector<16xf32>,
        %parallel_loop3A_456 = vector.shape_cast %parallel_loop3A_455 : vector<16xf32> to vector<16xf32>
        %parallel_loop3A_457 = vector.shape_cast %parallel_loop3A_453 : vector<16xf32> to vector<16xf32>
        tpu.vector_store %arg9[%parallel_loop3A_454], %parallel_loop3A_457 {add = true, strides = array<i32>} : memref<25728xf32, #tpu.memory_space<vmem>>, vector<16xf32>,
      } {sc.loop_unroll_factor = 8 : i64, sc.parallel_access}
      %add3A_388 = arith.addi %mul3A_2, %add3A_376 : i32
      %mul3A_389 = arith.constant 25728 : i32
      %mul3A_390 = arith.muli %add3A_388, %mul3A_389 : i32
      %dma_start3A_391 = tpu.memref_slice %arg5[%mul3A_390] : memref<26345472xf32, #tpu.memory_space<hbm>> -> memref<25728xf32, #tpu.memory_space<hbm>>
      %dma_start3A_392 = tpu.memref_slice %arg5[%mul3A_390] : memref<26345472xf32, #tpu.memory_space<hbm>> -> memref<25728xf32, #tpu.memory_space<hbm>>
      tpu.enqueue_dma source(%arg9 : memref<25728xf32, #tpu.memory_space<vmem>>) target(%dma_start3A_392 : memref<25728xf32, #tpu.memory_space<hbm>>) target_semaphore(%arg17 : memref<!tpu.dma_semaphore, #tpu.memory_space<semaphore_mem>>)
      %add3A_393 = arith.constant 2 : i32
      %add3A_394 = arith.addi %add3A_376, %add3A_393 : i32
      %lt3A_395 = arith.constant 32 : i32
      %lt3A_396 = arith.cmpi slt, %add3A_394, %lt3A_395 : i32
      %convert_element_type3A_397 = arith.extui %lt3A_396 : i1 to i32
      %cond3A_398 = arith.constant 0 : i32
      %cond3A_399 = arith.cmpi ne, %convert_element_type3A_397, %cond3A_398 : i32
      scf.if %cond3A_399 {
        %ge3A = arith.constant 2 : i32
        %ge3A_450 = arith.cmpi sge, %add3A_376, %ge3A : i32
        %convert_element_type3A_451 = arith.extui %ge3A_450 : i1 to i32
        %cond3A_452 = arith.constant 0 : i32
        %cond3A_453 = arith.cmpi ne, %convert_element_type3A_451, %cond3A_452 : i32
        scf.if %cond3A_453 {
          %dma_wait3A_465 = arith.constant 0 : i32
          %dma_wait3A_466 = tpu.memref_slice %arg5[%dma_wait3A_465] : memref<26345472xf32, #tpu.memory_space<hbm>> -> memref<25728xf32, #tpu.memory_space<hbm>>
          %dma_wait3A_467 = arith.constant 0 : i32
          %dma_wait3A_468 = tpu.memref_slice %arg5[%dma_wait3A_467] : memref<26345472xf32, #tpu.memory_space<hbm>> -> memref<25728xf32, #tpu.memory_space<hbm>>
          tpu.wait_dma2 semaphore(%arg19 : memref<!tpu.dma_semaphore, #tpu.memory_space<semaphore_mem>>) src(%arg11 : memref<25728xf32, #tpu.memory_space<vmem>>) dst(%dma_wait3A_468 : memref<25728xf32, #tpu.memory_space<hbm>>)
        } else {
        }
        %add3A_454 = arith.addi %mul3A_2, %add3A_376 : i32
        %add3A_455 = arith.constant 2 : i32
        %add3A_456 = arith.addi %add3A_454, %add3A_455 : i32
        %mul3A_457 = arith.constant 25600 : i32
        %mul3A_458 = arith.muli %add3A_456, %mul3A_457 : i32
        %dma_start3A_459 = arith.constant 128 : i32
        %dma_start3A_460 = tpu.memref_slice %arg11[%dma_start3A_459] : memref<25728xf32, #tpu.memory_space<vmem>> -> memref<25600xf32, #tpu.memory_space<vmem>>
        %dma_start3A_461 = tpu.memref_slice %arg2[%mul3A_458] : memref<26214400xf32, #tpu.memory_space<hbm>> -> memref<25600xf32, #tpu.memory_space<hbm>>
        %dma_start3A_462 = arith.constant 128 : i32
        %dma_start3A_463 = tpu.memref_slice %arg11[%dma_start3A_462] : memref<25728xf32, #tpu.memory_space<vmem>> -> memref<25600xf32, #tpu.memory_space<vmem>>
        %dma_start3A_464 = tpu.memref_slice %arg2[%mul3A_458] : memref<26214400xf32, #tpu.memory_space<hbm>> -> memref<25600xf32, #tpu.memory_space<hbm>>
        tpu.enqueue_dma source(%dma_start3A_464 : memref<25600xf32, #tpu.memory_space<hbm>>) target(%dma_start3A_463 : memref<25600xf32, #tpu.memory_space<vmem>>) target_semaphore(%arg15 : memref<!tpu.dma_semaphore, #tpu.memory_space<semaphore_mem>>)
      } else {
      }
      %add3A_400 = arith.constant 2 : i32
      %add3A_401 = arith.addi %add3A_353, %add3A_400 : i32
      %dma_wait3A_402 = arith.constant 128 : i32
      %dma_wait3A_403 = tpu.memref_slice %arg10[%dma_wait3A_402] : memref<25728xf32, #tpu.memory_space<vmem>> -> memref<25600xf32, #tpu.memory_space<vmem>>
      %dma_wait3A_404 = arith.constant 0 : i32
      %dma_wait3A_405 = tpu.memref_slice %arg2[%dma_wait3A_404] : memref<26214400xf32, #tpu.memory_space<hbm>> -> memref<25600xf32, #tpu.memory_space<hbm>>
      %dma_wait3A_406 = arith.constant 128 : i32
      %dma_wait3A_407 = tpu.memref_slice %arg10[%dma_wait3A_406] : memref<25728xf32, #tpu.memory_space<vmem>> -> memref<25600xf32, #tpu.memory_space<vmem>>
      %dma_wait3A_408 = arith.constant 0 : i32
      %dma_wait3A_409 = tpu.memref_slice %arg2[%dma_wait3A_408] : memref<26214400xf32, #tpu.memory_space<hbm>> -> memref<25600xf32, #tpu.memory_space<hbm>>
      tpu.wait_dma2 semaphore(%arg14 : memref<!tpu.dma_semaphore, #tpu.memory_space<semaphore_mem>>) src(%dma_wait3A_409 : memref<25600xf32, #tpu.memory_space<hbm>>) dst(%dma_wait3A_407 : memref<25600xf32, #tpu.memory_space<vmem>>)
      %parallel_loop3A_410 = arith.constant 128 : i32
      %parallel_loop3A_411 = arith.constant 25728 : i32
      %parallel_loop3A_412 = arith.constant 16 : i32
      scf.for %parallel_loop3A_450 = %parallel_loop3A_410 to %parallel_loop3A_411 step %parallel_loop3A_412  : i32 {
        %parallel_loop3A_451 = arith.index_cast %parallel_loop3A_450 : i32 to index
        %parallel_loop3A_452 = tpu.vector_load %arg6[%parallel_loop3A_451] {strides = array<i32>} : memref<25728xf32, #tpu.memory_space<vmem>>, vector<16xf32>,
        %parallel_loop3A_453 = vector.shape_cast %parallel_loop3A_452 : vector<16xf32> to vector<16xf32>
        %parallel_loop3A_454 = arith.index_cast %parallel_loop3A_450 : i32 to index
        %parallel_loop3A_455 = tpu.vector_load %arg10[%parallel_loop3A_454] {strides = array<i32>} : memref<25728xf32, #tpu.memory_space<vmem>>, vector<16xf32>,
        %parallel_loop3A_456 = vector.shape_cast %parallel_loop3A_455 : vector<16xf32> to vector<16xf32>
        %parallel_loop3A_457 = vector.shape_cast %parallel_loop3A_453 : vector<16xf32> to vector<16xf32>
        tpu.vector_store %arg10[%parallel_loop3A_454], %parallel_loop3A_457 {add = true, strides = array<i32>} : memref<25728xf32, #tpu.memory_space<vmem>>, vector<16xf32>,
      } {sc.loop_unroll_factor = 8 : i64, sc.parallel_access}
      %add3A_413 = arith.addi %mul3A_2, %add3A_401 : i32
      %mul3A_414 = arith.constant 25728 : i32
      %mul3A_415 = arith.muli %add3A_413, %mul3A_414 : i32
      %dma_start3A_416 = tpu.memref_slice %arg5[%mul3A_415] : memref<26345472xf32, #tpu.memory_space<hbm>> -> memref<25728xf32, #tpu.memory_space<hbm>>
      %dma_start3A_417 = tpu.memref_slice %arg5[%mul3A_415] : memref<26345472xf32, #tpu.memory_space<hbm>> -> memref<25728xf32, #tpu.memory_space<hbm>>
      tpu.enqueue_dma source(%arg10 : memref<25728xf32, #tpu.memory_space<vmem>>) target(%dma_start3A_417 : memref<25728xf32, #tpu.memory_space<hbm>>) target_semaphore(%arg18 : memref<!tpu.dma_semaphore, #tpu.memory_space<semaphore_mem>>)
      %add3A_418 = arith.constant 2 : i32
      %add3A_419 = arith.addi %add3A_401, %add3A_418 : i32
      %lt3A_420 = arith.constant 32 : i32
      %lt3A_421 = arith.cmpi slt, %add3A_419, %lt3A_420 : i32
      %convert_element_type3A_422 = arith.extui %lt3A_421 : i1 to i32
      %cond3A_423 = arith.constant 0 : i32
      %cond3A_424 = arith.cmpi ne, %convert_element_type3A_422, %cond3A_423 : i32
      scf.if %cond3A_424 {
        %ge3A = arith.constant 2 : i32
        %ge3A_450 = arith.cmpi sge, %add3A_401, %ge3A : i32
        %convert_element_type3A_451 = arith.extui %ge3A_450 : i1 to i32
        %cond3A_452 = arith.constant 0 : i32
        %cond3A_453 = arith.cmpi ne, %convert_element_type3A_451, %cond3A_452 : i32
        scf.if %cond3A_453 {
          %dma_wait3A_465 = arith.constant 0 : i32
          %dma_wait3A_466 = tpu.memref_slice %arg5[%dma_wait3A_465] : memref<26345472xf32, #tpu.memory_space<hbm>> -> memref<25728xf32, #tpu.memory_space<hbm>>
          %dma_wait3A_467 = arith.constant 0 : i32
          %dma_wait3A_468 = tpu.memref_slice %arg5[%dma_wait3A_467] : memref<26345472xf32, #tpu.memory_space<hbm>> -> memref<25728xf32, #tpu.memory_space<hbm>>
          tpu.wait_dma2 semaphore(%arg16 : memref<!tpu.dma_semaphore, #tpu.memory_space<semaphore_mem>>) src(%arg8 : memref<25728xf32, #tpu.memory_space<vmem>>) dst(%dma_wait3A_468 : memref<25728xf32, #tpu.memory_space<hbm>>)
        } else {
        }
        %add3A_454 = arith.addi %mul3A_2, %add3A_401 : i32
        %add3A_455 = arith.constant 2 : i32
        %add3A_456 = arith.addi %add3A_454, %add3A_455 : i32
        %mul3A_457 = arith.constant 25600 : i32
        %mul3A_458 = arith.muli %add3A_456, %mul3A_457 : i32
        %dma_start3A_459 = arith.constant 128 : i32
        %dma_start3A_460 = tpu.memref_slice %arg8[%dma_start3A_459] : memref<25728xf32, #tpu.memory_space<vmem>> -> memref<25600xf32, #tpu.memory_space<vmem>>
        %dma_start3A_461 = tpu.memref_slice %arg2[%mul3A_458] : memref<26214400xf32, #tpu.memory_space<hbm>> -> memref<25600xf32, #tpu.memory_space<hbm>>
        %dma_start3A_462 = arith.constant 128 : i32
        %dma_start3A_463 = tpu.memref_slice %arg8[%dma_start3A_462] : memref<25728xf32, #tpu.memory_space<vmem>> -> memref<25600xf32, #tpu.memory_space<vmem>>
        %dma_start3A_464 = tpu.memref_slice %arg2[%mul3A_458] : memref<26214400xf32, #tpu.memory_space<hbm>> -> memref<25600xf32, #tpu.memory_space<hbm>>
        tpu.enqueue_dma source(%dma_start3A_464 : memref<25600xf32, #tpu.memory_space<hbm>>) target(%dma_start3A_463 : memref<25600xf32, #tpu.memory_space<vmem>>) target_semaphore(%arg12 : memref<!tpu.dma_semaphore, #tpu.memory_space<semaphore_mem>>)
      } else {
      }
      %add3A_425 = arith.constant 3 : i32
      %add3A_426 = arith.addi %add3A_353, %add3A_425 : i32
      %dma_wait3A_427 = arith.constant 128 : i32
      %dma_wait3A_428 = tpu.memref_slice %arg11[%dma_wait3A_427] : memref<25728xf32, #tpu.memory_space<vmem>> -> memref<25600xf32, #tpu.memory_space<vmem>>
      %dma_wait3A_429 = arith.constant 0 : i32
      %dma_wait3A_430 = tpu.memref_slice %arg2[%dma_wait3A_429] : memref<26214400xf32, #tpu.memory_space<hbm>> -> memref<25600xf32, #tpu.memory_space<hbm>>
      %dma_wait3A_431 = arith.constant 128 : i32
      %dma_wait3A_432 = tpu.memref_slice %arg11[%dma_wait3A_431] : memref<25728xf32, #tpu.memory_space<vmem>> -> memref<25600xf32, #tpu.memory_space<vmem>>
      %dma_wait3A_433 = arith.constant 0 : i32
      %dma_wait3A_434 = tpu.memref_slice %arg2[%dma_wait3A_433] : memref<26214400xf32, #tpu.memory_space<hbm>> -> memref<25600xf32, #tpu.memory_space<hbm>>
      tpu.wait_dma2 semaphore(%arg15 : memref<!tpu.dma_semaphore, #tpu.memory_space<semaphore_mem>>) src(%dma_wait3A_434 : memref<25600xf32, #tpu.memory_space<hbm>>) dst(%dma_wait3A_432 : memref<25600xf32, #tpu.memory_space<vmem>>)
      %parallel_loop3A_435 = arith.constant 128 : i32
      %parallel_loop3A_436 = arith.constant 25728 : i32
      %parallel_loop3A_437 = arith.constant 16 : i32
      scf.for %parallel_loop3A_450 = %parallel_loop3A_435 to %parallel_loop3A_436 step %parallel_loop3A_437  : i32 {
        %parallel_loop3A_451 = arith.index_cast %parallel_loop3A_450 : i32 to index
        %parallel_loop3A_452 = tpu.vector_load %arg6[%parallel_loop3A_451] {strides = array<i32>} : memref<25728xf32, #tpu.memory_space<vmem>>, vector<16xf32>,
        %parallel_loop3A_453 = vector.shape_cast %parallel_loop3A_452 : vector<16xf32> to vector<16xf32>
        %parallel_loop3A_454 = arith.index_cast %parallel_loop3A_450 : i32 to index
        %parallel_loop3A_455 = tpu.vector_load %arg11[%parallel_loop3A_454] {strides = array<i32>} : memref<25728xf32, #tpu.memory_space<vmem>>, vector<16xf32>,
        %parallel_loop3A_456 = vector.shape_cast %parallel_loop3A_455 : vector<16xf32> to vector<16xf32>
        %parallel_loop3A_457 = vector.shape_cast %parallel_loop3A_453 : vector<16xf32> to vector<16xf32>
        tpu.vector_store %arg11[%parallel_loop3A_454], %parallel_loop3A_457 {add = true, strides = array<i32>} : memref<25728xf32, #tpu.memory_space<vmem>>, vector<16xf32>,
      } {sc.loop_unroll_factor = 8 : i64, sc.parallel_access}
      %add3A_438 = arith.addi %mul3A_2, %add3A_426 : i32
      %mul3A_439 = arith.constant 25728 : i32
      %mul3A_440 = arith.muli %add3A_438, %mul3A_439 : i32
      %dma_start3A_441 = tpu.memref_slice %arg5[%mul3A_440] : memref<26345472xf32, #tpu.memory_space<hbm>> -> memref<25728xf32, #tpu.memory_space<hbm>>
      %dma_start3A_442 = tpu.memref_slice %arg5[%mul3A_440] : memref<26345472xf32, #tpu.memory_space<hbm>> -> memref<25728xf32, #tpu.memory_space<hbm>>
      tpu.enqueue_dma source(%arg11 : memref<25728xf32, #tpu.memory_space<vmem>>) target(%dma_start3A_442 : memref<25728xf32, #tpu.memory_space<hbm>>) target_semaphore(%arg19 : memref<!tpu.dma_semaphore, #tpu.memory_space<semaphore_mem>>)
      %add3A_443 = arith.constant 2 : i32
      %add3A_444 = arith.addi %add3A_426, %add3A_443 : i32
      %lt3A_445 = arith.constant 32 : i32
      %lt3A_446 = arith.cmpi slt, %add3A_444, %lt3A_445 : i32
      %convert_element_type3A_447 = arith.extui %lt3A_446 : i1 to i32
      %cond3A_448 = arith.constant 0 : i32
      %cond3A_449 = arith.cmpi ne, %convert_element_type3A_447, %cond3A_448 : i32
      scf.if %cond3A_449 {
        %ge3A = arith.constant 2 : i32
        %ge3A_450 = arith.cmpi sge, %add3A_426, %ge3A : i32
        %convert_element_type3A_451 = arith.extui %ge3A_450 : i1 to i32
        %cond3A_452 = arith.constant 0 : i32
        %cond3A_453 = arith.cmpi ne, %convert_element_type3A_451, %cond3A_452 : i32
        scf.if %cond3A_453 {
          %dma_wait3A_465 = arith.constant 0 : i32
          %dma_wait3A_466 = tpu.memref_slice %arg5[%dma_wait3A_465] : memref<26345472xf32, #tpu.memory_space<hbm>> -> memref<25728xf32, #tpu.memory_space<hbm>>
          %dma_wait3A_467 = arith.constant 0 : i32
          %dma_wait3A_468 = tpu.memref_slice %arg5[%dma_wait3A_467] : memref<26345472xf32, #tpu.memory_space<hbm>> -> memref<25728xf32, #tpu.memory_space<hbm>>
          tpu.wait_dma2 semaphore(%arg17 : memref<!tpu.dma_semaphore, #tpu.memory_space<semaphore_mem>>) src(%arg9 : memref<25728xf32, #tpu.memory_space<vmem>>) dst(%dma_wait3A_468 : memref<25728xf32, #tpu.memory_space<hbm>>)
        } else {
        }
        %add3A_454 = arith.addi %mul3A_2, %add3A_426 : i32
        %add3A_455 = arith.constant 2 : i32
        %add3A_456 = arith.addi %add3A_454, %add3A_455 : i32
        %mul3A_457 = arith.constant 25600 : i32
        %mul3A_458 = arith.muli %add3A_456, %mul3A_457 : i32
        %dma_start3A_459 = arith.constant 128 : i32
        %dma_start3A_460 = tpu.memref_slice %arg9[%dma_start3A_459] : memref<25728xf32, #tpu.memory_space<vmem>> -> memref<25600xf32, #tpu.memory_space<vmem>>
        %dma_start3A_461 = tpu.memref_slice %arg2[%mul3A_458] : memref<26214400xf32, #tpu.memory_space<hbm>> -> memref<25600xf32, #tpu.memory_space<hbm>>
        %dma_start3A_462 = arith.constant 128 : i32
        %dma_start3A_463 = tpu.memref_slice %arg9[%dma_start3A_462] : memref<25728xf32, #tpu.memory_space<vmem>> -> memref<25600xf32, #tpu.memory_space<vmem>>
        %dma_start3A_464 = tpu.memref_slice %arg2[%mul3A_458] : memref<26214400xf32, #tpu.memory_space<hbm>> -> memref<25600xf32, #tpu.memory_space<hbm>>
        tpu.enqueue_dma source(%dma_start3A_464 : memref<25600xf32, #tpu.memory_space<hbm>>) target(%dma_start3A_463 : memref<25600xf32, #tpu.memory_space<vmem>>) target_semaphore(%arg13 : memref<!tpu.dma_semaphore, #tpu.memory_space<semaphore_mem>>)
      } else {
      }
    }
    %scan3A_333 = arith.constant 8 : i32
    %dma_wait3A = arith.constant 0 : i32
    %dma_wait3A_334 = tpu.memref_slice %arg5[%dma_wait3A] : memref<26345472xf32, #tpu.memory_space<hbm>> -> memref<25728xf32, #tpu.memory_space<hbm>>
    %dma_wait3A_335 = arith.constant 0 : i32
    %dma_wait3A_336 = tpu.memref_slice %arg5[%dma_wait3A_335] : memref<26345472xf32, #tpu.memory_space<hbm>> -> memref<25728xf32, #tpu.memory_space<hbm>>
    tpu.wait_dma2 semaphore(%arg16 : memref<!tpu.dma_semaphore, #tpu.memory_space<semaphore_mem>>) src(%arg8 : memref<25728xf32, #tpu.memory_space<vmem>>) dst(%dma_wait3A_336 : memref<25728xf32, #tpu.memory_space<hbm>>)
    %dma_wait3A_337 = arith.constant 0 : i32
    %dma_wait3A_338 = tpu.memref_slice %arg5[%dma_wait3A_337] : memref<26345472xf32, #tpu.memory_space<hbm>> -> memref<25728xf32, #tpu.memory_space<hbm>>
    %dma_wait3A_339 = arith.constant 0 : i32
    %dma_wait3A_340 = tpu.memref_slice %arg5[%dma_wait3A_339] : memref<26345472xf32, #tpu.memory_space<hbm>> -> memref<25728xf32, #tpu.memory_space<hbm>>
    tpu.wait_dma2 semaphore(%arg17 : memref<!tpu.dma_semaphore, #tpu.memory_space<semaphore_mem>>) src(%arg9 : memref<25728xf32, #tpu.memory_space<vmem>>) dst(%dma_wait3A_340 : memref<25728xf32, #tpu.memory_space<hbm>>)
    %dma_wait3A_341 = arith.constant 0 : i32
    %dma_wait3A_342 = tpu.memref_slice %arg5[%dma_wait3A_341] : memref<26345472xf32, #tpu.memory_space<hbm>> -> memref<25728xf32, #tpu.memory_space<hbm>>
    %dma_wait3A_343 = arith.constant 0 : i32
    %dma_wait3A_344 = tpu.memref_slice %arg5[%dma_wait3A_343] : memref<26345472xf32, #tpu.memory_space<hbm>> -> memref<25728xf32, #tpu.memory_space<hbm>>
    tpu.wait_dma2 semaphore(%arg18 : memref<!tpu.dma_semaphore, #tpu.memory_space<semaphore_mem>>) src(%arg10 : memref<25728xf32, #tpu.memory_space<vmem>>) dst(%dma_wait3A_344 : memref<25728xf32, #tpu.memory_space<hbm>>)
    %dma_wait3A_345 = arith.constant 0 : i32
    %dma_wait3A_346 = tpu.memref_slice %arg5[%dma_wait3A_345] : memref<26345472xf32, #tpu.memory_space<hbm>> -> memref<25728xf32, #tpu.memory_space<hbm>>
    %dma_wait3A_347 = arith.constant 0 : i32
    %dma_wait3A_348 = tpu.memref_slice %arg5[%dma_wait3A_347] : memref<26345472xf32, #tpu.memory_space<hbm>> -> memref<25728xf32, #tpu.memory_space<hbm>>
    tpu.wait_dma2 semaphore(%arg19 : memref<!tpu.dma_semaphore, #tpu.memory_space<semaphore_mem>>) src(%arg11 : memref<25728xf32, #tpu.memory_space<vmem>>) dst(%dma_wait3A_348 : memref<25728xf32, #tpu.memory_space<hbm>>)
    return
  }
}

</mosaic_0001>

<sc_bundles>
// kernel: _run.3.cloned.1.call-start
scs
__scs_entry_jumppad:
0x0: {  	(pc) =	sbr.rel $0x88, $3  }
0x1: {  	(tag) =	ssettag $0x0;
	lr =	simm.s32 $0x1  }
0x2: {  	[smem:$0x3F9E] =	sst lr;
	_ =	strace $0xD0000000  }
0x3: {  	_ = 	snop  }
0x4: {  	_ = 	snop  }
0x5: {  	_ = 	snop  }
0x6: {  	_ = 	snop  }
0x7: {  	_ = 	snop  }
__scs_overlays_trampoline_lowered:
0x8: {  	[smem:$0x3FAD] =	sst s0  }
0x9: {  	[smem:$0x3FAE] =	sst s1  }
0xa: {  	[smem:$0x3FAF] =	sst s2  }
0xb: {  	[smem:$0x3FB0] =	sst s3  }
0xc: {  	[smem:$0x3FB1] =	sst s4  }
0xd: {  	[smem:$0x3FB2] =	sst s5  }
0xe: {  	[smem:$0x3FB3] =	sst s6  }
0xf: {  	[smem:$0x3FB4] =	sst s7  }
0x10: {  	[smem:$0x3FB5] =	sst s8  }
0x11: {  	[smem:$0x3FB6] =	sst s9;
	s0 =	simm.s32 @!p0 $0x0  }
0x12: {  	s1 =	sld [smem:$0x3F9C];
	s0 =	simm.s32 @p0 $0x1  }
0x13: {  	[smem:$0x3FB7] =	sst s0;
	s0 =	simm.s32 @!p1 $0x0  }
0x14: {  	s2 =	sld [smem:$0x3F9B];
	s0 =	simm.s32 @p1 $0x1  }
0x15: {  	[smem:$0x3FB8] =	sst s0;
	s0 =	simm.s32 @!p2 $0x0  }
0x16: {  	s3 =	sld [smem:$0x3FDB];
	s0 =	simm.s32 @p2 $0x1  }
0x17: {  	s4 =	simm.s32 $0x1BF5;
	[smem:$0x3FBA] =	sst s0  }
0x18: {  	s0 =	sld [smem:$0x3F9D];
	_ =	swait.ge [sflag:s4], $0x0  }
0x19: {  	s7 =	sld [smem:$0x3F9E]  }
0x1a: {  	s8 =	sadd.s32 $0xFFFFE003, lr  }
0x1b: {  	s9 =	sadd.s32 $0xFFFFFEF7, lr;
	s5 =	simm.s32 $0xFFFFFFFF;
	p2 =	slt.u32 s8, $0xFFFFF086  }
0x1c: {  	p1 =	slt.u32 s9, $0xF7A;
	s5 =	simm.s32 @!p2 $0x0  }
0x1d: {  	s5 =	simm.s32 @p1 $0x1;
	p0 =	seq.s32 s7, s2  }
0x1e: {  	s7 =	smul.u32 @!p0 $0xF7A, s2;
	p2 =	seq.s32 @!p0 s5, $0x0  }
0x1f: {  	s9 =	smul.u32 $0xF7A, s1;
	s8 =	simm.s32 @!p0 $0x1BF5;
	p2 =	por !p2, p0  }
0x20: {  	[sflag:s8] =	ssyncset.s32 @!p0 $0xFFFFF086;
	s6 =	sadd.s32 @!p0 s3, s7;
	s7 =	simm.s32 @!p0 $0x108  }
0x21: {  	s3 =	sadd.s32 s3, s9;
	s6 =	sadd.s32 @!p0 $0x88, s6;
	s7 =	simm.s32 @p2 $0x1082  }
0x22: {  	[simem:s7], [sflag:s8] =	dma.local @!p0 [hbm:s6], $0xF7A  }
0x23: {  	s9 =	sor.u32 $0xD0000000, s2;
	s6 =	simm.s32 $0x108;
	_ =	swait.ge @!p0 [sflag:s8], $0x0  }
0x24: {  	s3 =	sadd.s32 $0x88, s3;
	s6 =	simm.s32 @!p1 $0x1082;
	[sflag:s4] =	ssyncset.s32 $0xFFFFF086  }
0x25: {  	[simem:s6], [sflag:s4] =	dma.local [hbm:s3], $0xF7A  }
0x26: {  	[smem:$0x3F9E] =	sst s1;
	(tag) =	ssettag s2;
	_ =	strace s9  }
0x27: {  	s1 =	sld [smem:$0x3FAE]  }
0x28: {  	s2 =	sld [smem:$0x3FAF]  }
0x29: {  	s4 =	sld [smem:$0x3FB1]  }
0x2a: {  	p0 =	seq.s32 s5, $0x0;
	s5 =	sld [smem:$0x3FB2]  }
0x2b: {  	s6 =	sld [smem:$0x3FB3]  }
0x2c: {  	s7 =	sld [smem:$0x3FB4]  }
0x2d: {  	s3 =	simm.s32 $0x108;
	s8 =	sld [smem:$0x3FB5]  }
0x2e: {  	s3 =	simm.s32 @!p0 $0x1082;
	s9 =	sld [smem:$0x3FB6]  }
0x2f: {  	lr =	sadd.s32 s0, s3;
	s0 =	sld [smem:$0x3FAD]  }
0x30: {  	s3 =	sld [smem:$0x3FB0]  }
0x31: {  	[smem:$0x3FB9] =	sst s10  }
0x32: {  	s10 =	sld [smem:$0x3FB7];
	_ =	sdelay $0x3  }
0x33: {  	p0 =	seq.s32 s10, $0x1;
	s10 =	sld [smem:$0x3FB9];
	_ =	sdelay $0x3  }
0x34: {  	[smem:$0x3FB9] =	sst s10  }
0x35: {  	s10 =	sld [smem:$0x3FB8];
	_ =	sdelay $0x3  }
0x36: {  	p1 =	seq.s32 s10, $0x1;
	s10 =	sld [smem:$0x3FB9];
	_ =	sdelay $0x3  }
0x37: {  	[smem:$0x3FB9] =	sst s10  }
0x38: {  	s10 =	sld [smem:$0x3FBA]  }
0x39: {  	_ = 	snop;
	(pc) =	sbr.ind lr, $3  }
0x3a: {  	_ = 	snop  }
0x3b: {  	_ = 	snop  }
0x3c: {  	p2 =	seq.s32 s10, $0x1;
	s10 =	sld [smem:$0x3FB9]  }
0x3d: {  	_ =	shalt  }
0x3e: {  	_ =	shalt  }
0x3f: {  	_ =	shalt  }
0x40: {  	_ =	shalt  }
0x41: {  	_ =	shalt  }
0x42: {  	_ =	shalt  }
0x43: {  	_ =	shalt  }
0x44: {  	_ =	shalt  }
0x45: {  	_ =	shalt  }
0x46: {  	_ =	shalt  }
0x47: {  	_ =	shalt  }
0x48: {  	_ =	shalt  }
0x49: {  	_ =	shalt  }
0x4a: {  	_ =	shalt  }
0x4b: {  	_ =	shalt  }
0x4c: {  	_ =	shalt  }
0x4d: {  	_ =	shalt  }
0x4e: {  	_ =	shalt  }
0x4f: {  	_ =	shalt  }
0x50: {  	_ =	shalt  }
0x51: {  	_ =	shalt  }
0x52: {  	_ =	shalt  }
0x53: {  	_ =	shalt  }
0x54: {  	_ =	shalt  }
0x55: {  	_ =	shalt  }
0x56: {  	_ =	shalt  }
0x57: {  	_ =	shalt  }
0x58: {  	_ =	shalt  }
0x59: {  	_ =	shalt  }
0x5a: {  	_ =	shalt  }
0x5b: {  	_ =	shalt  }
0x5c: {  	_ =	shalt  }
0x5d: {  	_ =	shalt  }
0x5e: {  	_ =	shalt  }
0x5f: {  	_ =	shalt  }
0x60: {  	_ =	shalt  }
0x61: {  	_ =	shalt  }
0x62: {  	_ =	shalt  }
0x63: {  	_ =	shalt  }
0x64: {  	_ =	shalt  }
0x65: {  	_ =	shalt  }
0x66: {  	_ =	shalt  }
0x67: {  	_ =	shalt  }
0x68: {  	_ =	shalt  }
0x69: {  	_ =	shalt  }
0x6a: {  	_ =	shalt  }
0x6b: {  	_ =	shalt  }
0x6c: {  	_ =	shalt  }
0x6d: {  	_ =	shalt  }
0x6e: {  	_ =	shalt  }
0x6f: {  	_ =	shalt  }
0x70: {  	_ =	shalt  }
0x71: {  	_ =	shalt  }
0x72: {  	_ =	shalt  }
0x73: {  	_ =	shalt  }
0x74: {  	_ =	shalt  }
0x75: {  	_ =	shalt  }
0x76: {  	_ =	shalt  }
0x77: {  	_ =	shalt  }
0x78: {  	_ =	shalt  }
0x79: {  	_ =	shalt  }
0x7a: {  	_ =	shalt  }
0x7b: {  	_ =	shalt  }
0x7c: {  	_ =	shalt  }
0x7d: {  	_ =	shalt  }
0x7e: {  	_ =	shalt  }
0x7f: {  	_ =	shalt  }
0x80: {  	_ =	shalt  }
0x81: {  	_ =	shalt  }
0x82: {  	_ =	shalt  }
0x83: {  	_ =	shalt  }
0x84: {  	_ =	shalt  }
0x85: {  	_ =	shalt  }
0x86: {  	_ =	shalt  }
0x87: {  	_ =	shalt  }
.Lfunc_end0:
.L_simem_size_0:
called_computation_lowered:
.L_overlay_start_0:
0x88: {  	s2 =	sld [smem:$0x3FD9]  }
0x89: {  	s3 =	sld [smem:$0x3FFE];
	_ =	sdelay $0x1  }
0x8a: {  	s1 =	srdreg.scid  }
0x8b: {  	s0 =	sand.u32 $0x1, s1  }
0x8c: {  	s18 =	sshll.u32 s0, $0xA;
	s2 =	sadd.s32 s3, s2  }
0x8d: {  	s2 =	sadd.s32 s2, s18  }
0x8e: {  	[smem:$0x3FC5] =	sst s2  }
0x8f: {  	_ = 	snop  }
0x90: {  	s2 =	sld [smem:$0x3FC9]  }
0x91: {  	s19 =	sld [smem:$0x3FC8]  }
0x92: {  	s4 =	sld [smem:$0x3FC7]  }
0x93: {  	s5 =	sld [smem:$0x3FD0];
	(tm) =	ssettm $0x1  }
0x94: {  	s6 =	sld [smem:$0x3FFB];
	_ =	sdelay $0x3  }
0x95: {  	_ =	strace s6  }
0x96: {  	s6 =	sld [smem:$0x3FFC];
	_ =	sdelay $0x3  }
0x97: {  	_ =	strace s6  }
0x98: {  	s6 =	sld [smem:$0x3FFD];
	_ =	sdelay $0x3  }
0x99: {  	_ =	strace s6  }
0x9a: {  	_ =	strace $0x8FFFFFFF  }
0x9b: {  	s20 =	sld [smem:$0x3FDB];
	_ =	sdelay $0x1  }
0x9c: {  	s7 =	simm.s32 $_scs_section_size  }
0x9d: {  	s8 =	simm.s32 $_size__tile_overlayer_lowered;
	s9 =	simm.s32 $_tile_overlayer_lowered  }
0x9e: {  	s23 =	simm.s32 $0x1BFF;
	s22 =	sshll.u32 s9, $0x1;
	s6 =	sadd.s32 s7, s20  }
0x9f: {  	s10 =	simm.s32 $0x0;
	s21 =	sshll.u32 s8, $0x1;
	s8 =	sadd.s32 s22, s6  }
0xa0: {  	[timem:s10], [sflag:s23] =	dma.local [hbm:s8], s21  }
0xa1: {  	_ =	swait.ge [sflag:s23], s21  }
0xa2: {  	s7 =	ssub.s32 $0x0, s21;
	[sflag:s23] =	ssyncset.done $0x0  }
0xa3: {  	[sflag:s23] =	ssyncadd.s32 s7;
	_ =	sdelay $0x1  }
0xa4: {  	s24 =	simm.s32 $0x1B8B  }
0xa5: {  	_ =	swait.ge [sflag:s24], $0x1  }
0xa6: {  	[sflag:s24] =	ssyncset.done $0x0  }
0xa7: {  	s25 =	simm.s32 $0x1B8E;
	[sflag:s24] =	ssyncadd.s32 $0xFFFFFFFF  }
0xa8: {  	s26 =	simm.s32 $execute0_lowered;
	[smem:$0x3FD2] =	sst s25  }
0xa9: {  	s7 =	sshll.u32 s26, $0x1;
	_ =	strace $0x80000046;
	[dreg:$0x1] =	wrdreg $0xFFFFFFFF  }
0xaa: {  	s28 =	simm.s32 $_size_execute0_lowered;
	s6 =	sadd.s32 s6, s7;
	[dreg:$0x0] =	wrdreg $0x0  }
0xab: {  	s7 =	sshll.u32 s28, $0x1;
	[dreg:$0x2] =	wrdreg s6  }
0xac: {  	[dreg:$0x3] =	wrdreg s7  }
0xad: {  	[dreg:$0x4] =	wrdreg $0xC0  }
0xae: {  	_ =	task [dreg:s10], $0x5FFFF  }
0xaf: {  	[dreg:$0x1] =	wrdreg $0xFFFFFFFF  }
0xb0: {  	[dreg:$0x0] =	wrdreg $0x60  }
0xb1: {  	[dreg:$0x2] =	wrdreg s2  }
0xb2: {  	[dreg:$0x3] =	wrdreg s19  }
0xb3: {  	[dreg:$0x4] =	wrdreg s4  }
0xb4: {  	[dreg:$0x5] =	wrdreg s5  }
0xb5: {  	[dreg:$0x6] =	wrdreg $0x9  }
0xb6: {  	_ =	task.clear_ibuf [dreg:s10], $0x7FFFF;
	_ =	strace $0x90000046  }
0xb7: {  	s29 =	simm.s32 $0x9;
	_ =	strace $0x80000048  }
0xb8: {  	_ =	swait.ge [sflag:s29], $0x1  }
0xb9: {  	[sflag:s29] =	ssyncadd.s32 $0xFFFFFFFF  }
0xba: {  	_ =	strace $0x90000048  }
0xbb: {  	_ =	sfence  }
0xbc: {  	s30 =	sld [smem:$0x0];
	_ =	sdelay $0x2  }
0xbd: {  	s31 =	sshll.u32 s1, $0xD;
	s1 =	sshrl.u32 s1, $0x2  }
0xbe: {  	s3 =	sand.u32 $0x4000, s31;
	s1 =	sadd.s32 s1, s30  }
0xbf: {  	s0 =	sor.u32 s3, s0;
	s1 =	sshll.u32 s1, $0x11  }
0xc0: {  	s0 =	sor.u32 s1, s0  }
0xc1: {  	s0 =	sadd.s32 $0x8F2B, s0  }
0xc2: {  	[sflag:s0] =	ssyncadd.remote.s32 $0x1  }
0xc3: {  	_ =	sfence.sel $0xFFFF  }
0xc4: {  	[dreg:$0x0] =	wrdreg $0xFFFFFFFF;
	(pc) =	sbr.abs _section_cstart, $3  }
0xc5: {  	[dreg:$0x1] =	wrdreg $0xFFFFFFFF  }
0xc6: {  	_ =	task.clear_ibuf [dreg:s10], $0x2FFFF;
	_ =	strace $0x9FFFFFFF  }
0xc7: {  	(tm) =	ssettm $0x7FFFFFFF  }
tec
execute0_lowered:
.L_overlay_start_1:
0x0: {  	(tag) =	ssettag $0x1  }
0x1: {  	s1 =	rddreg [dreg:$0x0];
	s0 =	srdreg.scid  }
0x2: {  	s2 =	stileid.u32;
	s5 =	rddreg [dreg:$0x3];
	s6 =	simm.s32 $0x0  }
0x3: {  	s11 =	simm.s32 $0x9;
	s12 =	simm.s32 $0x6480;
	s13 =	simm.s32 $0x6580  }
0x4: {  	s14 =	simm.s32 $0xCA00;
	s15 =	simm.s32 $0x1;
	s16 =	simm.s32 $0x6500  }
0x5: {  	s17 =	simm.s32 $0x12E80;
	s18 =	simm.s32 $0x2;
	s19 =	simm.s32 $0xC980  }
0x6: {  	s20 =	simm.s32 $0x19300;
	s21 =	simm.s32 $0x3;
	s22 =	simm.s32 $0x12E00  }
0x7: {  	s23 =	simm.s32 $0x4;
	s24 =	simm.s32 $0x19280;
	s25 =	simm.s32 $0x5  }
0x8: {  	s26 =	simm.s32 $0x6;
	s0 =	sand.u32 $0x1, s0;
	s2 =	sshll.u32 s2, $0x1  }
.Ltmp0:
0x9: {  	s28 =	simm.s32 $0x7;
	s2 =	sor.u32 s0, s2;
	(pc) =	sbr.rel .LBB2_1-.Ltmp0, $4  }
0xa: {  	s29 =	simm.s32 $0x8;
	s0 =	ssub.s32 $0x2, s0;
	s3 =	smul.u32 $0x19000, s2  }
0xb: {  	s30 =	simm.s32 $0x0;
	[smem:$0x7FF] =	sst s6;
	s4 =	sshrl.u32 s0, $0x1  }
0xc: {  	_ =	strace $0x80000047;
	s0 =	ssub.s32 s0, s4;
	s8 =	sadd.s32 s1, s3  }
0xd: {  	s7 =	sshll.u32 s2, $0x5;
	s10 =	smax.u32 s0, $0x1;
	s9 =	sadd.s32 $0xC80, s8  }
.LBB2_12:
0xe: {  	_ =	swait.ge [sflag:s25], $0x6480  }
0xf: {  	[sflag:s25] =	ssyncset.done $0x0  }
0x10: {  	[sflag:s25] =	ssyncadd.s32 $0xFFFF9B80  }
0x11: {  	_ =	swait.ge [sflag:s26], $0x6480  }
0x12: {  	[sflag:s26] =	ssyncset.done $0x0  }
0x13: {  	s30 =	sadd.s32 $0x1, s30;
	[sflag:s26] =	ssyncadd.s32 $0xFFFF9B80  }
0x14: {  	p0 =	sne.s32 s30, s10;
	_ =	swait.ge [sflag:s28], $0x6480  }
.Ltmp1:
0x15: {  	[sflag:s28] =	ssyncset.done $0x0;
	(pc) =	sbr.rel @!p0 .LBB2_13-.Ltmp1, $4  }
0x16: {  	[sflag:s28] =	ssyncadd.s32 $0xFFFF9B80  }
0x17: {  	_ =	swait.ge [sflag:s29], $0x6480  }
0x18: {  	[sflag:s29] =	ssyncset.done $0x0  }
0x19: {  	[sflag:s29] =	ssyncadd.s32 $0xFFFF9B80  }
.LBB2_1:
0x1a: {  	s0 =	rddreg [dreg:$0x2]  }
0x1b: {  	[tilespmem:s6], [sflag:$0x9] =	stream.linear.gather [hbm4b:s0+s6], $0x6480, $0x38;
	[tilespmem:$0x1F700] =	vst v63  }
0x1c: {  	_ =	swait.ge [sflag:s11], $0x6480  }
0x1d: {  	[sflag:s11] =	ssyncset.done $0x0  }
0x1e: {  	[sflag:s11] =	ssyncadd.s32 $0xFFFF9B80  }
0x1f: {  	s4 =	rddreg [dreg:$0x1]  }
0x20: {  	[tilespmem:s12], [sflag:$0x9] =	stream.linear.gather [hbm4b:s4+s6], $0x80, $0x38;
	[tilespmem:$0x1F700] =	vst v63  }
0x21: {  	_ =	swait.ge [sflag:s11], $0x80  }
0x22: {  	[sflag:s11] =	ssyncset.done $0x0  }
0x23: {  	[sflag:s11] =	ssyncadd.s32 $0xFFFFFF80  }
0x24: {  	v0 =	vld [tilespmem:$0x0]  }
0x25: {  	v1 =	vld [tilespmem:$0x6480]  }
0x26: {  	v2 =	vld [tilespmem:$0x10]  }
0x27: {  	v3 =	vld [tilespmem:$0x6490]  }
0x28: {  	v4 =	vld [tilespmem:$0x20]  }
0x29: {  	v5 =	vld [tilespmem:$0x64A0]  }
0x2a: {  	v6 =	vld [tilespmem:$0x30]  }
0x2b: {  	v7 =	vld [tilespmem:$0x64B0]  }
0x2c: {  	v8 =	vld [tilespmem:$0x40]  }
0x2d: {  	v9 =	vld [tilespmem:$0x64C0]  }
0x2e: {  	v10 =	vld [tilespmem:$0x50]  }
0x2f: {  	v11 =	vld [tilespmem:$0x64D0]  }
0x30: {  	v12 =	vld [tilespmem:$0x60]  }
0x31: {  	v25 =	vld [tilespmem:$0x64E0];
	v2 =	vadd.f32 v3, v2  }
0x32: {  	v26 =	vld [tilespmem:$0x70];
	v4 =	vadd.f32 v5, v4  }
0x33: {  	v28 =	vld [tilespmem:$0x64F0];
	v27 =	vadd.f32 v7, v6;
	[tilespmem:$0x10] =	vst v2  }
0x34: {  	v29 =	vadd.f32 v9, v8;
	[tilespmem:$0x20] =	vst v4  }
0x35: {  	v30 =	vadd.f32 v11, v10;
	[tilespmem:$0x30] =	vst v27  }
0x36: {  	v0 =	vadd.f32 v1, v0;
	[tilespmem:$0x40] =	vst v29  }
0x37: {  	v31 =	vadd.f32 v25, v12;
	[tilespmem:$0x50] =	vst v30;
	v32 =	vld [tilespmem:$0x10]  }
0x38: {  	v33 =	vadd.f32 v28, v26;
	[tilespmem:$0x0] =	vst v0;
	v34 =	vld [tilespmem:$0x20]  }
0x39: {  	[tilespmem:$0x60] =	vst v31;
	v35 =	vld [tilespmem:$0x30]  }
0x3a: {  	[tilespmem:$0x70] =	vst v33;
	v36 =	vld [tilespmem:$0x40]  }
0x3b: {  	[tilespmem:$0x6500] =	vst v0;
	v37 =	vld [tilespmem:$0x50]  }
0x3c: {  	v38 =	vld [tilespmem:$0x60];
	[tilespmem:$0x6510] =	vst v32  }
0x3d: {  	v39 =	vld [tilespmem:$0x70];
	[tilespmem:$0x6520] =	vst v34  }
0x3e: {  	v40 =	vld [tilespmem:$0x0];
	[tilespmem:$0x6530] =	vst v35  }
0x3f: {  	v41 =	vld [tilespmem:$0x10];
	[tilespmem:$0x6540] =	vst v36  }
0x40: {  	v42 =	vld [tilespmem:$0x20];
	[tilespmem:$0x6550] =	vst v37  }
0x41: {  	v43 =	vld [tilespmem:$0x30];
	[tilespmem:$0x6560] =	vst v38  }
0x42: {  	v44 =	vld [tilespmem:$0x40];
	[tilespmem:$0x6570] =	vst v39  }
0x43: {  	v45 =	vld [tilespmem:$0x50];
	[tilespmem:$0xC980] =	vst v40  }
0x44: {  	v46 =	vld [tilespmem:$0x60];
	[tilespmem:$0xC990] =	vst v41  }
0x45: {  	v47 =	vld [tilespmem:$0x70];
	[tilespmem:$0xC9A0] =	vst v42  }
0x46: {  	v48 =	vld [tilespmem:$0x0];
	[tilespmem:$0xC9B0] =	vst v43  }
0x47: {  	v49 =	vld [tilespmem:$0x10];
	[tilespmem:$0xC9C0] =	vst v44  }
0x48: {  	v50 =	vld [tilespmem:$0x20];
	[tilespmem:$0xC9D0] =	vst v45  }
0x49: {  	v51 =	vld [tilespmem:$0x30];
	[tilespmem:$0xC9E0] =	vst v46  }
0x4a: {  	v52 =	vld [tilespmem:$0x40];
	[tilespmem:$0xC9F0] =	vst v47  }
0x4b: {  	v53 =	vld [tilespmem:$0x50];
	[tilespmem:$0x12E00] =	vst v48  }
0x4c: {  	v54 =	vld [tilespmem:$0x60];
	[tilespmem:$0x12E10] =	vst v49  }
0x4d: {  	v55 =	vld [tilespmem:$0x70];
	[tilespmem:$0x12E20] =	vst v50  }
0x4e: {  	v56 =	vld [tilespmem:$0x0];
	[tilespmem:$0x12E30] =	vst v51  }
0x4f: {  	v57 =	vld [tilespmem:$0x10];
	[tilespmem:$0x12E40] =	vst v52  }
0x50: {  	v58 =	vld [tilespmem:$0x20];
	[tilespmem:$0x12E50] =	vst v53  }
0x51: {  	v59 =	vld [tilespmem:$0x30];
	[tilespmem:$0x12E60] =	vst v54  }
0x52: {  	v60 =	vld [tilespmem:$0x40];
	[tilespmem:$0x12E70] =	vst v55  }
0x53: {  	v61 =	vld [tilespmem:$0x50];
	[tilespmem:$0x19280] =	vst v56  }
0x54: {  	v62 =	vld [tilespmem:$0x60];
	[tilespmem:$0x19290] =	vst v57  }
0x55: {  	v63 =	vld [tilespmem:$0x70];
	[tilespmem:$0x192A0] =	vst v58  }
0x56: {  	[tilespmem:$0x192B0] =	vst v59  }
0x57: {  	[tilespmem:$0x192C0] =	vst v60  }
0x58: {  	[tilespmem:$0x192D0] =	vst v61  }
0x59: {  	[tilespmem:$0x192E0] =	vst v62  }
0x5a: {  	[tilespmem:$0x192F0] =	vst v63  }
0x5b: {  	[tilespmem:s13], [sflag:$0x1] =	stream.linear.gather [hbm4b:s8+s6], $0x6400, $0x38;
	[tilespmem:$0x1F700] =	vst v63  }
0x5c: {  	s31 =	simm.s32 $0x0  }
0x5d: {  	[tilespmem:s14], [sflag:$0x2] =	stream.linear.gather [hbm4b:s9+s6], $0x6400, $0x38;
	[tilespmem:$0x1F700] =	vst v63  }
.LBB2_2:
0x5e: {  	_ =	swait.ge [sflag:s15], $0x6400  }
0x5f: {  	[sflag:s15] =	ssyncset.done $0x0  }
0x60: {  	s0 =	simm.s32 $0x0;
	[sflag:s15] =	ssyncadd.s32 $0xFFFF9C00  }
0x61: {  	v0 =	vld [tilespmem:s0+$0xF0]  }
0x62: {  	v1 =	vld [tilespmem:s0+$0x80]  }
0x63: {  	v2 =	vld [tilespmem:s0+$0x90]  }
0x64: {  	v3 =	vld [tilespmem:s0+$0xA0]  }
0x65: {  	v4 =	vld [tilespmem:s0+$0xB0]  }
0x66: {  	v5 =	vld [tilespmem:s0+$0xC0]  }
0x67: {  	v6 =	vld [tilespmem:s0+$0xD0]  }
0x68: {  	[tilespmem:s0+$0x65F0] =	vst.add.f32.msk $0xffff, v0  }
0x69: {  	v0 =	vld [tilespmem:s0+$0xE0]  }
0x6a: {  	[tilespmem:s0+$0x6580] =	vst.add.f32.msk $0xffff, v1  }
0x6b: {  	[tilespmem:s0+$0x6590] =	vst.add.f32.msk $0xffff, v2  }
0x6c: {  	[tilespmem:s0+$0x65A0] =	vst.add.f32.msk $0xffff, v3  }
0x6d: {  	[tilespmem:s0+$0x65B0] =	vst.add.f32.msk $0xffff, v4  }
0x6e: {  	[tilespmem:s0+$0x65C0] =	vst.add.f32.msk $0xffff, v5  }
0x6f: {  	s3 =	simm.s32 $0x80;
	s2 =	simm.s32 $0x200;
	[tilespmem:s0+$0x65D0] =	vst.add.f32.msk $0xffff, v6  }
.LBB2_3:
0x70: {  	s3 =	sadd.s32 $0x80, s3;
	[tilespmem:s0+$0x65E0] =	vst.add.f32.msk $0xffff, v0;
	s0 =	sshra.s32 s2, $0x2  }
0x71: {  	v0 =	vld [tilespmem:s0+$0xF0];
	p0 =	slt.u32 s3, $0x6400  }
0x72: {  	v1 =	vld [tilespmem:s0+$0x80]  }
0x73: {  	v2 =	vld [tilespmem:s0+$0x90]  }
0x74: {  	v3 =	vld [tilespmem:s0+$0xA0]  }
0x75: {  	v4 =	vld [tilespmem:s0+$0xB0]  }
0x76: {  	[tilespmem:s0+$0x65F0] =	vst.add.f32.msk $0xffff, v0  }
0x77: {  	v5 =	vld [tilespmem:s0+$0xC0]  }
0x78: {  	v6 =	vld [tilespmem:s0+$0xD0]  }
0x79: {  	v0 =	vld [tilespmem:s0+$0xE0]  }
0x7a: {  	[tilespmem:s0+$0x6580] =	vst.add.f32.msk $0xffff, v1  }
.Ltmp2:
0x7b: {  	[tilespmem:s0+$0x6590] =	vst.add.f32.msk $0xffff, v2;
	(pc) =	sbr.rel @p0 .LBB2_3-.Ltmp2, $4  }
0x7c: {  	[tilespmem:s0+$0x65A0] =	vst.add.f32.msk $0xffff, v3  }
0x7d: {  	[tilespmem:s0+$0x65B0] =	vst.add.f32.msk $0xffff, v4  }
0x7e: {  	[tilespmem:s0+$0x65C0] =	vst.add.f32.msk $0xffff, v5  }
0x7f: {  	s2 =	sadd.s32 $0x200, s2;
	[tilespmem:s0+$0x65D0] =	vst.add.f32.msk $0xffff, v6  }
0x80: {  	s2 =	sshll.u32 s31, $0x2  }
0x81: {  	s3 =	sor.u32 s7, s2  }
0x82: {  	s2 =	smul.u32 $0xC90, s3;
	_ =	sdelay $0x1  }
0x83: {  	[tilespmem:s0+$0x65E0] =	vst.add.f32.msk $0xffff, v0;
	p0 =	seq.s32 s31, $0x0;
	s4 =	smul.u32 $0x6400, s3;
	s2 =	sadd.s32 s5, s2  }
0x84: {  	[hbm4b:s2+s6] =	stream.linear.scatter [tilespmem:s16], [sflag:$0x5], $0x6480, $0x38;
	[tilespmem:$0x1F700] =	vst v63  }
0x85: {  	s2 =	simm.s32 @!p0 $0x7  }
0x86: {  	s0 =	sshrl.u32 s4, $0x3;
	_ =	swait.ge @!p0 [sflag:s2], $0x6480  }
0x87: {  	s0 =	sadd.s32 s1, s0;
	[sflag:s2] =	ssyncset.done @!p0 $0x0  }
0x88: {  	s4 =	simm.s32 $0x0;
	s0 =	sadd.s32 $0x1900, s0;
	[sflag:s2] =	ssyncadd.s32 @!p0 $0xFFFF9B80  }
0x89: {  	[tilespmem:s17], [sflag:$0x3] =	stream.linear.gather [hbm4b:s0+s4], $0x6400, $0x38;
	[tilespmem:$0x1F700] =	vst v63  }
0x8a: {  	_ =	swait.ge [sflag:s18], $0x6400  }
0x8b: {  	[sflag:s18] =	ssyncset.done $0x0  }
0x8c: {  	s0 =	simm.s32 $0x0;
	[sflag:s18] =	ssyncadd.s32 $0xFFFF9C00  }
0x8d: {  	v0 =	vld [tilespmem:s0+$0xF0]  }
0x8e: {  	v1 =	vld [tilespmem:s0+$0x80]  }
0x8f: {  	v2 =	vld [tilespmem:s0+$0x90]  }
0x90: {  	v3 =	vld [tilespmem:s0+$0xA0]  }
0x91: {  	v4 =	vld [tilespmem:s0+$0xB0]  }
0x92: {  	v5 =	vld [tilespmem:s0+$0xC0]  }
0x93: {  	v6 =	vld [tilespmem:s0+$0xD0]  }
0x94: {  	[tilespmem:s0+$0xCA70] =	vst.add.f32.msk $0xffff, v0  }
0x95: {  	v0 =	vld [tilespmem:s0+$0xE0]  }
0x96: {  	[tilespmem:s0+$0xCA00] =	vst.add.f32.msk $0xffff, v1  }
0x97: {  	[tilespmem:s0+$0xCA10] =	vst.add.f32.msk $0xffff, v2  }
0x98: {  	[tilespmem:s0+$0xCA20] =	vst.add.f32.msk $0xffff, v3  }
0x99: {  	[tilespmem:s0+$0xCA30] =	vst.add.f32.msk $0xffff, v4  }
0x9a: {  	[tilespmem:s0+$0xCA40] =	vst.add.f32.msk $0xffff, v5  }
0x9b: {  	s2 =	simm.s32 $0x80;
	s4 =	simm.s32 $0x200;
	[tilespmem:s0+$0xCA50] =	vst.add.f32.msk $0xffff, v6  }
.LBB2_5:
0x9c: {  	s2 =	sadd.s32 $0x80, s2;
	[tilespmem:s0+$0xCA60] =	vst.add.f32.msk $0xffff, v0;
	s0 =	sshra.s32 s4, $0x2  }
0x9d: {  	v0 =	vld [tilespmem:s0+$0xF0];
	p1 =	slt.u32 s2, $0x6400  }
0x9e: {  	v1 =	vld [tilespmem:s0+$0x80]  }
0x9f: {  	v2 =	vld [tilespmem:s0+$0x90]  }
0xa0: {  	v3 =	vld [tilespmem:s0+$0xA0]  }
0xa1: {  	v4 =	vld [tilespmem:s0+$0xB0]  }
0xa2: {  	[tilespmem:s0+$0xCA70] =	vst.add.f32.msk $0xffff, v0  }
0xa3: {  	v5 =	vld [tilespmem:s0+$0xC0]  }
0xa4: {  	v6 =	vld [tilespmem:s0+$0xD0]  }
0xa5: {  	v0 =	vld [tilespmem:s0+$0xE0]  }
0xa6: {  	[tilespmem:s0+$0xCA00] =	vst.add.f32.msk $0xffff, v1  }
.Ltmp3:
0xa7: {  	[tilespmem:s0+$0xCA10] =	vst.add.f32.msk $0xffff, v2;
	(pc) =	sbr.rel @p1 .LBB2_5-.Ltmp3, $4  }
0xa8: {  	[tilespmem:s0+$0xCA20] =	vst.add.f32.msk $0xffff, v3  }
0xa9: {  	[tilespmem:s0+$0xCA30] =	vst.add.f32.msk $0xffff, v4  }
0xaa: {  	[tilespmem:s0+$0xCA40] =	vst.add.f32.msk $0xffff, v5  }
0xab: {  	s4 =	sadd.s32 $0x200, s4;
	[tilespmem:s0+$0xCA50] =	vst.add.f32.msk $0xffff, v6  }
0xac: {  	s2 =	sor.u32 $0x1, s3  }
0xad: {  	s4 =	smul.u32 $0xC90, s2;
	_ =	sdelay $0x1  }
0xae: {  	[tilespmem:s0+$0xCA60] =	vst.add.f32.msk $0xffff, v0;
	s4 =	sadd.s32 s5, s4  }
0xaf: {  	[hbm4b:s4+s6] =	stream.linear.scatter [tilespmem:s19], [sflag:$0x6], $0x6480, $0x38;
	[tilespmem:$0x1F700] =	vst v63  }
0xb0: {  	s4 =	smul.u32 $0x6400, s2  }
0xb1: {  	s2 =	simm.s32 @!p0 $0x8  }
0xb2: {  	_ =	swait.ge @!p0 [sflag:s2], $0x6480;
	s0 =	sshrl.u32 s4, $0x3  }
0xb3: {  	[sflag:s2] =	ssyncset.done @!p0 $0x0;
	s0 =	sadd.s32 s1, s0  }
0xb4: {  	s4 =	simm.s32 $0x0;
	[sflag:s2] =	ssyncadd.s32 @!p0 $0xFFFF9B80;
	s0 =	sadd.s32 $0x1900, s0  }
0xb5: {  	[tilespmem:s20], [sflag:$0x4] =	stream.linear.gather [hbm4b:s0+s4], $0x6400, $0x38;
	[tilespmem:$0x1F700] =	vst v63  }
0xb6: {  	_ =	swait.ge [sflag:s21], $0x6400  }
0xb7: {  	[sflag:s21] =	ssyncset.done $0x0  }
0xb8: {  	s0 =	simm.s32 $0x0;
	[sflag:s21] =	ssyncadd.s32 $0xFFFF9C00  }
0xb9: {  	v0 =	vld [tilespmem:s0+$0xF0]  }
0xba: {  	v1 =	vld [tilespmem:s0+$0x80]  }
0xbb: {  	v2 =	vld [tilespmem:s0+$0x90]  }
0xbc: {  	v3 =	vld [tilespmem:s0+$0xA0]  }
0xbd: {  	v4 =	vld [tilespmem:s0+$0xB0]  }
0xbe: {  	v5 =	vld [tilespmem:s0+$0xC0]  }
0xbf: {  	v6 =	vld [tilespmem:s0+$0xD0]  }
0xc0: {  	[tilespmem:s0+$0x12EF0] =	vst.add.f32.msk $0xffff, v0  }
0xc1: {  	v0 =	vld [tilespmem:s0+$0xE0]  }
0xc2: {  	[tilespmem:s0+$0x12E80] =	vst.add.f32.msk $0xffff, v1  }
0xc3: {  	[tilespmem:s0+$0x12E90] =	vst.add.f32.msk $0xffff, v2  }
0xc4: {  	[tilespmem:s0+$0x12EA0] =	vst.add.f32.msk $0xffff, v3  }
0xc5: {  	[tilespmem:s0+$0x12EB0] =	vst.add.f32.msk $0xffff, v4  }
0xc6: {  	[tilespmem:s0+$0x12EC0] =	vst.add.f32.msk $0xffff, v5  }
0xc7: {  	s2 =	simm.s32 $0x80;
	s4 =	simm.s32 $0x200;
	[tilespmem:s0+$0x12ED0] =	vst.add.f32.msk $0xffff, v6  }
.LBB2_7:
0xc8: {  	s2 =	sadd.s32 $0x80, s2;
	[tilespmem:s0+$0x12EE0] =	vst.add.f32.msk $0xffff, v0;
	s0 =	sshra.s32 s4, $0x2  }
0xc9: {  	v0 =	vld [tilespmem:s0+$0xF0];
	p0 =	slt.u32 s2, $0x6400  }
0xca: {  	v1 =	vld [tilespmem:s0+$0x80]  }
0xcb: {  	v2 =	vld [tilespmem:s0+$0x90]  }
0xcc: {  	v3 =	vld [tilespmem:s0+$0xA0]  }
0xcd: {  	v4 =	vld [tilespmem:s0+$0xB0]  }
0xce: {  	[tilespmem:s0+$0x12EF0] =	vst.add.f32.msk $0xffff, v0  }
0xcf: {  	v5 =	vld [tilespmem:s0+$0xC0]  }
0xd0: {  	v6 =	vld [tilespmem:s0+$0xD0]  }
0xd1: {  	v0 =	vld [tilespmem:s0+$0xE0]  }
0xd2: {  	[tilespmem:s0+$0x12E80] =	vst.add.f32.msk $0xffff, v1  }
.Ltmp4:
0xd3: {  	[tilespmem:s0+$0x12E90] =	vst.add.f32.msk $0xffff, v2;
	(pc) =	sbr.rel @p0 .LBB2_7-.Ltmp4, $4  }
0xd4: {  	[tilespmem:s0+$0x12EA0] =	vst.add.f32.msk $0xffff, v3  }
0xd5: {  	[tilespmem:s0+$0x12EB0] =	vst.add.f32.msk $0xffff, v4  }
0xd6: {  	[tilespmem:s0+$0x12EC0] =	vst.add.f32.msk $0xffff, v5  }
0xd7: {  	s4 =	sadd.s32 $0x200, s4;
	[tilespmem:s0+$0x12ED0] =	vst.add.f32.msk $0xffff, v6  }
0xd8: {  	s2 =	sor.u32 $0x2, s3  }
0xd9: {  	s4 =	smul.u32 $0xC90, s2  }
0xda: {  	p0 =	seq.s32 s31, $0x7  }
0xdb: {  	[tilespmem:s0+$0x12EE0] =	vst.add.f32.msk $0xffff, v0;
	s0 =	simm.s32 @!p0 $0x5;
	s2 =	smul.u32 @!p0 $0x6400, s2;
	s4 =	sadd.s32 s5, s4  }
0xdc: {  	[hbm4b:s4+s6] =	stream.linear.scatter [tilespmem:s22], [sflag:$0x7], $0x6480, $0x38;
	[tilespmem:$0x1F700] =	vst v63  }
0xdd: {  	_ =	swait.ge @!p0 [sflag:s0], $0x6480  }
0xde: {  	s2 =	sshrl.u32 @!p0 s2, $0x3;
	[sflag:s0] =	ssyncset.done @!p0 $0x0  }
0xdf: {  	[sflag:s0] =	ssyncadd.s32 @!p0 $0xFFFF9B80;
	s0 =	sadd.s32 @!p0 s1, s2  }
0xe0: {  	s4 =	simm.s32 @!p0 $0x6580;
	s2 =	simm.s32 @!p0 $0x0;
	s0 =	sadd.s32 @!p0 $0x1900, s0  }
0xe1: {  	[tilespmem:s4], [sflag:$0x1] =	stream.linear.gather @!p0 [hbm4b:s0+s2], $0x6400, $0x38;
	[tilespmem:$0x1F700] =	vst v63  }
0xe2: {  	_ =	swait.ge [sflag:s23], $0x6400  }
0xe3: {  	[sflag:s23] =	ssyncset.done $0x0  }
0xe4: {  	s0 =	simm.s32 $0x0;
	[sflag:s23] =	ssyncadd.s32 $0xFFFF9C00  }
0xe5: {  	v0 =	vld [tilespmem:s0+$0xF0]  }
0xe6: {  	v1 =	vld [tilespmem:s0+$0x80]  }
0xe7: {  	v2 =	vld [tilespmem:s0+$0x90]  }
0xe8: {  	v3 =	vld [tilespmem:s0+$0xA0]  }
0xe9: {  	v4 =	vld [tilespmem:s0+$0xB0]  }
0xea: {  	v5 =	vld [tilespmem:s0+$0xC0]  }
0xeb: {  	v6 =	vld [tilespmem:s0+$0xD0]  }
0xec: {  	[tilespmem:s0+$0x19370] =	vst.add.f32.msk $0xffff, v0  }
0xed: {  	v0 =	vld [tilespmem:s0+$0xE0]  }
0xee: {  	[tilespmem:s0+$0x19300] =	vst.add.f32.msk $0xffff, v1  }
0xef: {  	[tilespmem:s0+$0x19310] =	vst.add.f32.msk $0xffff, v2  }
0xf0: {  	[tilespmem:s0+$0x19320] =	vst.add.f32.msk $0xffff, v3  }
0xf1: {  	[tilespmem:s0+$0x19330] =	vst.add.f32.msk $0xffff, v4  }
0xf2: {  	[tilespmem:s0+$0x19340] =	vst.add.f32.msk $0xffff, v5  }
0xf3: {  	s2 =	simm.s32 $0x80;
	s4 =	simm.s32 $0x200;
	[tilespmem:s0+$0x19350] =	vst.add.f32.msk $0xffff, v6  }
.LBB2_9:
0xf4: {  	s2 =	sadd.s32 $0x80, s2;
	[tilespmem:s0+$0x19360] =	vst.add.f32.msk $0xffff, v0;
	s0 =	sshra.s32 s4, $0x2  }
0xf5: {  	v0 =	vld [tilespmem:s0+$0xF0];
	p1 =	slt.u32 s2, $0x6400  }
0xf6: {  	v1 =	vld [tilespmem:s0+$0x80]  }
0xf7: {  	v2 =	vld [tilespmem:s0+$0x90]  }
0xf8: {  	v3 =	vld [tilespmem:s0+$0xA0]  }
0xf9: {  	v4 =	vld [tilespmem:s0+$0xB0]  }
0xfa: {  	[tilespmem:s0+$0x19370] =	vst.add.f32.msk $0xffff, v0  }
0xfb: {  	v5 =	vld [tilespmem:s0+$0xC0]  }
0xfc: {  	v6 =	vld [tilespmem:s0+$0xD0]  }
0xfd: {  	v0 =	vld [tilespmem:s0+$0xE0]  }
0xfe: {  	[tilespmem:s0+$0x19300] =	vst.add.f32.msk $0xffff, v1  }
.Ltmp5:
0xff: {  	[tilespmem:s0+$0x19310] =	vst.add.f32.msk $0xffff, v2;
	(pc) =	sbr.rel @p1 .LBB2_9-.Ltmp5, $4  }
0x100: {  	[tilespmem:s0+$0x19320] =	vst.add.f32.msk $0xffff, v3  }
0x101: {  	[tilespmem:s0+$0x19330] =	vst.add.f32.msk $0xffff, v4  }
0x102: {  	[tilespmem:s0+$0x19340] =	vst.add.f32.msk $0xffff, v5  }
0x103: {  	s4 =	sadd.s32 $0x200, s4;
	[tilespmem:s0+$0x19350] =	vst.add.f32.msk $0xffff, v6  }
.Ltmp6:
0x104: {  	s2 =	sor.u32 $0x3, s3;
	(pc) =	sbr.rel @p0 .LBB2_12-.Ltmp6, $3  }
0x105: {  	s3 =	smul.u32 $0xC90, s2;
	_ =	sdelay $0x1  }
0x106: {  	[tilespmem:s0+$0x19360] =	vst.add.f32.msk $0xffff, v0;
	s4 =	sadd.s32 s5, s3  }
0x107: {  	[hbm4b:s4+s6] =	stream.linear.scatter [tilespmem:s24], [sflag:$0x8], $0x6480, $0x38;
	[tilespmem:$0x1F700] =	vst v63  }
0x108: {  	s0 =	smul.u32 $0x6400, s2  }
.Ltmp7:
0x109: {  	_ = 	snop;
	(pc) =	sbr.rel .LBB2_2-.Ltmp7, $4  }
0x10a: {  	_ =	swait.ge [sflag:s26], $0x6480;
	s0 =	sshrl.u32 s0, $0x3  }
0x10b: {  	[sflag:s26] =	ssyncset.done $0x0;
	s0 =	sadd.s32 s1, s0  }
0x10c: {  	s31 =	sadd.s32 $0x1, s31;
	[sflag:s26] =	ssyncadd.s32 $0xFFFF9B80;
	s0 =	sadd.s32 $0x1900, s0  }
0x10d: {  	[tilespmem:s14], [sflag:$0x2] =	stream.linear.gather [hbm4b:s0+s6], $0x6400, $0x38;
	[tilespmem:$0x1F700] =	vst v63  }
.LBB2_13:
0x10e: {  	_ =	sfence.sel $0x180000  }
0x10f: {  	[bflag:$0x0] =	sbarrier.arrive $0xFFFF  }
0x110: {  	_ =	strace $0x90000047  }
0x111: {  	s0 =	stileid.u32;
	[bflag:$0x2] =	sbarrier.arrive $0xFFFF  }
0x112: {  	p0 =	sne.s32 s0, $0x0;
	s0 =	rddreg [dreg:$0x4]  }
0x113: {  	s0 =	sadd.s32 @!p0 $0x100000, s0  }
0x114: {  	[sflag:s0] =	ssyncadd.tile.s32 @!p0 $0x1;
	_ =	shalt  }
.Lfunc_end2:
_tile_overlayer_lowered:
.L_overlay_start_2:
0x115: {  	(tag) =	ssettag $0x2  }
0x116: {  	s0 =	rddreg [dreg:$0x0];
	s2 =	stileid.u32  }
0x117: {  	s1 =	rddreg [dreg:$0x1];
	p0 =	sne.s32 s2, $0x0  }
0x118: {  	s3 =	rddreg [dreg:$0x2];
	[bflag:$0x3] =	sbarrier.arrive $0xFFFF;
	s2 =	simm.s32 @!p0 $0x1C09  }
0x119: {  	[timem:s3], [sflag:s2] =	dma.local @!p0 [hbm:s0], s1  }
0x11a: {  	s0 =	simm.s32 @!p0 $0x9  }
0x11b: {  	_ =	swait.ge @!p0 [sflag:s0], s1  }
0x11c: {  	s1 =	ssub.s32 @!p0 $0x0, s1;
	[sflag:s0] =	ssyncset.done @!p0 $0x0  }
0x11d: {  	[sflag:s0] =	ssyncadd.s32 @!p0 s1  }
0x11e: {  	[bflag:$0x3] =	sbarrier.arrive $0xFFFF  }
0x11f: {  	_ =	shalt  }

</sc_bundles>
